<compile_context>
chip_gen: v7x
topology: tpu7x:2x2x1
jax: 0.10.2.dev20260603
libtpu: 0.0.44.dev20260713+nightly
codegen_flags: <defaults>
</compile_context>

<pallas_src>
import functools

import jax
import jax.numpy as jnp
from jax import lax
from jax.experimental import pallas as pl
from jax.experimental.pallas import tpu as pltpu
from jax.experimental.pallas import tpu_sc as plsc

NC = 2
NS = 16
LANES = 128
F = 16
NBUF = 4
SPLIT0 = 0.515


def _mesh():
    return plsc.VectorSubcoreMesh(
        core_axis_name="c", subcore_axis_name="s", num_cores=NC, num_subcores=NS
    )


def _partition(rows):
    kpw0 = max(NBUF, int(round(rows * SPLIT0 / (NS * NBUF))) * NBUF)
    kpw0 = min(kpw0, (rows // (NS * NBUF)) * NBUF)
    rem = rows - NS * kpw0
    kpw1 = max(0, (rem // NS) // NBUF * NBUF)
    extra = rows - NS * kpw0 - NS * kpw1
    return kpw0, kpw1, extra


def _emit_packed(acc_sh, stage_v, wide_v, out_hbm, rpt, c, s):
    pk = 128 // F
    wrows = rpt * F // 128
    pltpu.sync_copy(acc_sh.at[pl.ds(s * rpt, rpt)], stage_v)

    def rp(i, carry):
        for j in range(pk):
            wide_v[i, pl.ds(j * F, F)] = stage_v[i * pk + j]
        return carry

    lax.fori_loop(0, wrows, rp, 0)
    pltpu.sync_copy(wide_v, out_hbm.at[c, pl.ds(s * wrows, wrows)])


def _edge_loop(run_batch, idx_stage, ei3, kpw0, kpw1, extra, c, s):

    def run(base, kpw):
        idx_stage(base, kpw, 0)

        def step(t, carry):
            run_batch(t * NBUF, NBUF)
            return carry

        lax.fori_loop(0, kpw // NBUF, step, 0)

    @pl.when(c == 0)
    def _():
        run(s * kpw0, kpw0)

    @pl.when(c == 1)
    def _():
        if kpw1 > 0:
            run(NS * kpw0 + s * kpw1, kpw1)

    if extra > 0:
        nfull = extra // NBUF
        tail = extra % NBUF

        @pl.when((c == 1) & (s == NS - 1))
        def _():
            idx_stage(NS * (kpw0 + kpw1), extra, 0)

            def step(t, carry):
                run_batch(t * NBUF, NBUF)
                return carry

            lax.fori_loop(0, nfull, step, 0)
            if tail:
                run_batch(nfull * NBUF, tail)


@functools.partial(jax.jit, static_argnames=("n_pad", "rows"))
def _deg_pass(ei3, n_pad, rows):
    rpt = n_pad // NS
    kpw0, kpw1, extra = _partition(rows)
    kmax = max(kpw0, kpw1, extra)

    def body(ei_hbm, out_hbm, dst_v, ones_v, stage_v, wide_v, acc_sh, sem):
        c = lax.axis_index("c")
        s = lax.axis_index("s")

        def zr(i, carry):
            stage_v[i] = jnp.zeros((F,), jnp.float32)
            return carry

        lax.fori_loop(0, rpt, zr, 0)

        def on(i, carry):
            ones_v[i] = jnp.ones((F,), jnp.float32)
            return carry

        lax.fori_loop(0, LANES, on, 0)
        pltpu.sync_copy(stage_v, acc_sh.at[pl.ds(s * rpt, rpt)])
        plsc.subcore_barrier()

        def idx_stage(base, count, off):
            pltpu.sync_copy(
                ei_hbm.at[1, pl.ds(base, count)], dst_v.at[pl.ds(off, count)]
            )

        def run_batch(j0, nb):
            descs = [
                pltpu.async_copy(
                    ones_v, acc_sh.at[dst_v.at[j0 + b]], sem, add=True
                )
                for b in range(nb)
            ]
            for desc in descs:
                desc.wait()

        _edge_loop(run_batch, idx_stage, ei_hbm, kpw0, kpw1, extra, c, s)

        plsc.subcore_barrier()
        _emit_packed(acc_sh, stage_v, wide_v, out_hbm, rpt, c, s)

    return pl.kernel(
        body,
        out_type=jax.ShapeDtypeStruct((NC, n_pad * F // 128, 128), jnp.float32),
        mesh=_mesh(),
        compiler_params=pltpu.CompilerParams(use_tc_tiling_on_sc=False),
        scratch_types=[
            pltpu.VMEM((kmax, LANES), jnp.int32),
            pltpu.VMEM((LANES, F), jnp.float32),
            pltpu.VMEM((rpt, F), jnp.float32),
            pltpu.VMEM((rpt * F // 128, 128), jnp.float32),
            pltpu.VMEM_SHARED((n_pad, F), jnp.float32),
            pltpu.SemaphoreType.DMA,
        ],
    )(ei3)


@functools.partial(jax.jit, static_argnames=("n_pad", "rows"))
def _agg_pass(hs, ei3, n_pad, rows):
    rpt = n_pad // NS
    kpw0, kpw1, extra = _partition(rows)
    kmax = max(kpw0, kpw1, extra)

    def body(hs_hbm, ei_hbm, out_hbm, src_v, dst_v, rows_v, stage_v,
             wide_v, acc_sh, *sems):
        gsems = sems[:NBUF]
        ssems = sems[NBUF:]
        c = lax.axis_index("c")
        s = lax.axis_index("s")

        def zr(i, carry):
            stage_v[i] = jnp.zeros((F,), jnp.float32)
            return carry

        lax.fori_loop(0, rpt, zr, 0)
        pltpu.sync_copy(stage_v, acc_sh.at[pl.ds(s * rpt, rpt)])
        plsc.subcore_barrier()

        def idx_stage(base, count, off):
            pltpu.sync_copy(
                ei_hbm.at[0, pl.ds(base, count)], src_v.at[pl.ds(off, count)]
            )
            pltpu.sync_copy(
                ei_hbm.at[1, pl.ds(base, count)], dst_v.at[pl.ds(off, count)]
            )

        def run_batch(j0, nb):
            gds = [
                pltpu.async_copy(
                    hs_hbm.at[src_v.at[j0 + b]],
                    rows_v.at[pl.ds(b * LANES, LANES)],
                    gsems[b],
                )
                for b in range(nb)
            ]
            sds = []
            for b in range(nb):
                gds[b].wait()
                sds.append(
                    pltpu.async_copy(
                        rows_v.at[pl.ds(b * LANES, LANES)],
                        acc_sh.at[dst_v.at[j0 + b]],
                        ssems[b],
                        add=True,
                    )
                )
            for desc in sds:
                desc.wait()

        _edge_loop(run_batch, idx_stage, ei_hbm, kpw0, kpw1, extra, c, s)

        plsc.subcore_barrier()
        _emit_packed(acc_sh, stage_v, wide_v, out_hbm, rpt, c, s)

    return pl.kernel(
        body,
        out_type=jax.ShapeDtypeStruct((NC, n_pad * F // 128, 128), jnp.float32),
        mesh=_mesh(),
        compiler_params=pltpu.CompilerParams(use_tc_tiling_on_sc=False),
        scratch_types=[
            pltpu.VMEM((kmax, LANES), jnp.int32),
            pltpu.VMEM((kmax, LANES), jnp.int32),
            pltpu.VMEM((NBUF * LANES, F), jnp.float32),
            pltpu.VMEM((rpt, F), jnp.float32),
            pltpu.VMEM((rpt * F // 128, 128), jnp.float32),
            pltpu.VMEM_SHARED((n_pad, F), jnp.float32),
        ]
        + [pltpu.SemaphoreType.DMA] * (2 * NBUF),
    )(hs, ei3)


def _mm1_body(x_ref, w_ref, h_ref):
    h_ref[...] = jnp.dot(
        x_ref[...], w_ref[...], preferred_element_type=jnp.float32
    )


def _mm2_body(s_ref, w_ref, b_ref, g_ref, out_ref):
    logits = (
        jnp.dot(s_ref[...], w_ref[...], preferred_element_type=jnp.float32)
        + b_ref[...]
    )
    m = jnp.max(logits, axis=1, keepdims=True)
    e = jnp.exp(logits - m)
    sums = jnp.dot(e, g_ref[...], preferred_element_type=jnp.float32)
    out_ref[...] = (logits - m) - jnp.log(sums)


def _full_spec(shape):
    return pl.BlockSpec(shape, lambda i: tuple(0 for _ in shape))


def kernel(x, edge_index, W1, b1, W2, b2):
    n, d = x.shape
    c_dim = W2.shape[1]
    e = edge_index.shape[1]
    assert W1.shape[1] == F

    if e % LANES == 0:
        ei = edge_index
        n_pad = -(-n // LANES) * LANES
    else:
        pad = LANES - e % LANES
        n_pad = (n + LANES) // LANES * LANES
        ei = jnp.concatenate(
            [
                edge_index,
                jnp.tile(
                    jnp.array([[0], [n]], jnp.int32), (1, pad)
                ),
            ],
            axis=1,
        )
    rows = ei.shape[1] // LANES
    ei3 = ei.reshape(2, rows, LANES)

    pk = 128 // F
    assert n % pk == 0 and d % 8 == 0

    def packed(a2d):
        return a2d[: n // pk]

    eye = jnp.eye(pk, dtype=jnp.float32)
    w1big = jnp.kron(eye, W1)
    degp = _deg_pass(ei3, n_pad=n_pad, rows=rows)
    h1p = pl.pallas_call(
        _mm1_body,
        out_shape=jax.ShapeDtypeStruct((n // pk, 128), jnp.float32),
    )(x.reshape(n // pk, pk * d), w1big)

    b1t = jnp.tile(b1, pk)
    dis = lax.rsqrt(packed(degp[0]) + packed(degp[1]) + 1.0)
    hs1 = dis * h1p

    t1 = _agg_pass(hs1.reshape(n, F), ei3, n_pad=n_pad, rows=rows)

    r = jnp.maximum(
        dis * (packed(t1[0]) + packed(t1[1]) + hs1) + b1t, 0.0
    )
    hs2 = dis * r

    t2 = _agg_pass(hs2.reshape(n, F), ei3, n_pad=n_pad, rows=rows)

    s2 = dis * (packed(t2[0]) + packed(t2[1]) + hs2)

    w2big = jnp.kron(eye, W2)
    gmat = jnp.kron(eye, jnp.ones((c_dim, c_dim), jnp.float32))
    outp = pl.pallas_call(
        _mm2_body,
        out_shape=jax.ShapeDtypeStruct((n // pk, pk * c_dim), jnp.float32),
    )(s2, w2big, jnp.tile(b2, pk).reshape(1, pk * c_dim), gmat)

    return outp.reshape(n, c_dim)

# --- scband reference (transcript-rebuilt; emitter-appended) ---
"""Pipeline reference for scband-net-16801912062043 (READ-ONLY COPY).

The authoritative reference and input builder live on the scoring server;
editing this copy changes nothing except your own understanding.
"""

import jax, jax.numpy as jnp
import numpy as np

N = 10000
E = 320000
D = 128
H = 16
C = 3


def setup_inputs(seed: int = 0) -> dict:
    key = jax.random.key(seed)
    k1, k2, k3, k4 = jax.random.split(key, 4)
    x = jax.random.normal(k1, (N, D), dtype=jnp.float32)
    edge_index = jax.random.randint(k2, (2, E), 0, N, dtype=jnp.int32)
    # GCNConv weights (glorot-style scale) and biases
    W1 = jax.random.normal(k3, (D, H), dtype=jnp.float32) * (1.0 / np.sqrt(D))
    b1 = jnp.zeros((H,), dtype=jnp.float32)
    W2 = jax.random.normal(k4, (H, C), dtype=jnp.float32) * (1.0 / np.sqrt(H))
    b2 = jnp.zeros((C,), dtype=jnp.float32)
    return {"x": x, "edge_index": edge_index, "W1": W1, "b1": b1, "W2": W2, "b2": b2}


def gcn_conv(x, edge_index, W, b):
    # PyG GCNConv: add self-loops, symmetric D^{-1/2}(A+I)D^{-1/2} normalization
    n = x.shape[0]
    loop = jnp.arange(n, dtype=edge_index.dtype)
    src = jnp.concatenate([edge_index[0], loop])
    dst = jnp.concatenate([edge_index[1], loop])
    ones = jnp.ones(src.shape[0], dtype=x.dtype)
    deg = jax.ops.segment_sum(ones, dst, num_segments=n)
    deg_inv_sqrt = jnp.where(deg > 0, 1.0 / jnp.sqrt(deg), 0.0)
    norm = deg_inv_sqrt[src] * deg_inv_sqrt[dst]
    h = x @ W
    msg = h[src] * norm[:, None]
    out = jax.ops.segment_sum(msg, dst, num_segments=n)
    return out + b


def reference(x, edge_index, W1, b1, W2, b2):
    h = gcn_conv(x, edge_index, W1, b1)
    h = jax.nn.relu(h)
    # F.dropout(training=self.training) is identity in eval mode
    h = gcn_conv(h, edge_index, W2, b2)
    return jax.nn.log_softmax(h, axis=1)

if __name__ == "__main__":
    import jax
    _d = setup_inputs()
    print(jax.jit(kernel)(*tuple(_d.values())))

</pallas_src>

<mosaic_0001>
#map = affine_map<(d0, d1) -> (0, 0, 0)>
module attributes {stable_mosaic.version = 14 : i64} {
  func.func @body(%arg0: i32, %arg1: i32, %arg2: memref<2x2500x128xi32, #tpu.memory_space<hbm>>, %arg3: memref<2x1264x128xf32, #tpu.memory_space<hbm>>, %arg4: memref<80x128xi32, #tpu.memory_space<vmem>>, %arg5: memref<128x16xf32, #tpu.memory_space<vmem>>, %arg6: memref<632x16xf32, #tpu.memory_space<vmem>>, %arg7: memref<79x128xf32, #tpu.memory_space<vmem>>, %arg8: memref<10112x16xf32, #tpu.memory_space<vmem_shared>>, %arg9: memref<!tpu.dma_semaphore, #tpu.memory_space<semaphore_mem>>) attributes {dimension_semantics = [#tpu.dimension_semantics<core_parallel>, #tpu.dimension_semantics<subcore_parallel>], iteration_bounds = array<i64: 2, 16>, scalar_prefetch = 0 : i64, scratch_operands = 6 : i64, tpu.core_type = #tpu.core_type<sc_vector_subcore>, window_params = [{transform_indices = #map}, {transform_indices = #map}]} {
    %scan3A = arith.constant 0 : i32
    %scan3A_0 = arith.constant 0 : i32
    %scan3A_1 = arith.constant 632 : i32
    %scan3A_2 = arith.addi %scan3A_0, %scan3A_1 : i32
    %scan3A_3 = arith.constant 1 : i32
    scf.for %scan3A_37 = %scan3A_0 to %scan3A_2 step %scan3A_3  : i32 {
      %broadcast_in_dim3A = arith.constant 0.000000e+00 : f32
      %broadcast_in_dim3A_38 = vector.broadcast %broadcast_in_dim3A : f32 to vector<16xf32>
      %swap3A = arith.index_cast %scan3A_37 : i32 to index
      %swap3A_39 = arith.constant 0 : index
      %swap3A_40 = tpu.vector_load %arg6[%swap3A, %swap3A_39] {strides = array<i32>} : memref<632x16xf32, #tpu.memory_space<vmem>>, vector<1x16xf32>,
      %swap3A_41 = vector.shape_cast %swap3A_40 : vector<1x16xf32> to vector<16xf32>
      %swap3A_42 = vector.shape_cast %broadcast_in_dim3A_38 : vector<16xf32> to vector<1x16xf32>
      tpu.vector_store %arg6[%swap3A, %swap3A_39], %swap3A_42 {strides = array<i32>} : memref<632x16xf32, #tpu.memory_space<vmem>>, vector<1x16xf32>,
    }
    %scan3A_4 = arith.constant 632 : i32
    %scan3A_5 = arith.constant 0 : i32
    %scan3A_6 = arith.constant 0 : i32
    %scan3A_7 = arith.constant 128 : i32
    %scan3A_8 = arith.addi %scan3A_6, %scan3A_7 : i32
    %scan3A_9 = arith.constant 1 : i32
    scf.for %scan3A_37 = %scan3A_6 to %scan3A_8 step %scan3A_9  : i32 {
      %broadcast_in_dim3A = arith.constant 1.000000e+00 : f32
      %broadcast_in_dim3A_38 = vector.broadcast %broadcast_in_dim3A : f32 to vector<16xf32>
      %swap3A = arith.index_cast %scan3A_37 : i32 to index
      %swap3A_39 = arith.constant 0 : index
      %swap3A_40 = tpu.vector_load %arg5[%swap3A, %swap3A_39] {strides = array<i32>} : memref<128x16xf32, #tpu.memory_space<vmem>>, vector<1x16xf32>,
      %swap3A_41 = vector.shape_cast %swap3A_40 : vector<1x16xf32> to vector<16xf32>
      %swap3A_42 = vector.shape_cast %broadcast_in_dim3A_38 : vector<16xf32> to vector<1x16xf32>
      tpu.vector_store %arg5[%swap3A, %swap3A_39], %swap3A_42 {strides = array<i32>} : memref<128x16xf32, #tpu.memory_space<vmem>>, vector<1x16xf32>,
    }
    %scan3A_10 = arith.constant 128 : i32
    %mul3A = arith.constant 632 : i32
    %mul3A_11 = arith.muli %arg1, %mul3A : i32
    "tpu.region"() ({
      %run_scoped3A = tpu.sem_alloc : memref<!tpu.dma_semaphore, #tpu.memory_space<semaphore_mem>>
      %dma_start3A = arith.constant 0 : i32
      %dma_start3A_37 = tpu.memref_slice %arg8[%mul3A_11, %dma_start3A] : memref<10112x16xf32, #tpu.memory_space<vmem_shared>> -> memref<632x16xf32, #tpu.memory_space<vmem_shared>>
      %dma_start3A_38 = arith.constant 0 : i32
      %dma_start3A_39 = tpu.memref_slice %arg8[%mul3A_11, %dma_start3A_38] : memref<10112x16xf32, #tpu.memory_space<vmem_shared>> -> memref<632x16xf32, #tpu.memory_space<vmem_shared>>
      tpu.enqueue_dma source(%arg6 : memref<632x16xf32, #tpu.memory_space<vmem>>) target(%dma_start3A_39 : memref<632x16xf32, #tpu.memory_space<vmem_shared>>) target_semaphore(%run_scoped3A : memref<!tpu.dma_semaphore, #tpu.memory_space<semaphore_mem>>)
      %dma_wait3A = arith.constant 0 : i32
      %dma_wait3A_40 = tpu.memref_slice %arg8[%mul3A_11, %dma_wait3A] : memref<10112x16xf32, #tpu.memory_space<vmem_shared>> -> memref<632x16xf32, #tpu.memory_space<vmem_shared>>
      %dma_wait3A_41 = arith.constant 0 : i32
      %dma_wait3A_42 = tpu.memref_slice %arg8[%mul3A_11, %dma_wait3A_41] : memref<10112x16xf32, #tpu.memory_space<vmem_shared>> -> memref<632x16xf32, #tpu.memory_space<vmem_shared>>
      tpu.wait_dma2 semaphore(%run_scoped3A : memref<!tpu.dma_semaphore, #tpu.memory_space<semaphore_mem>>) src(%arg6 : memref<632x16xf32, #tpu.memory_space<vmem>>) dst(%dma_wait3A_42 : memref<632x16xf32, #tpu.memory_space<vmem_shared>>)
      tpu.yield
    }) : () -> ()
    %barrier3A = arith.constant 0 : index
    tpu.barrier barrier_id(%barrier3A)
    %eq3A = arith.constant 0 : i32
    %eq3A_12 = arith.cmpi eq, %arg0, %eq3A : i32
    %convert_element_type3A = arith.extui %eq3A_12 : i1 to i32
    %cond3A = arith.constant 0 : i32
    %cond3A_13 = arith.cmpi ne, %convert_element_type3A, %cond3A : i32
    scf.if %cond3A_13 {
      %mul3A_37 = arith.constant 80 : i32
      %mul3A_38 = arith.muli %arg1, %mul3A_37 : i32
      %run_scoped3A = arith.constant 1 : i32
      "tpu.region"() ({
        %run_scoped3A_45 = tpu.sem_alloc : memref<!tpu.dma_semaphore, #tpu.memory_space<semaphore_mem>>
        %dma_start3A = arith.constant 0 : i32
        %dma_start3A_46 = arith.constant 0 : i32
        %dma_start3A_47 = tpu.memref_slice %arg4[%dma_start3A, %dma_start3A_46] : memref<80x128xi32, #tpu.memory_space<vmem>> -> memref<80x128xi32, #tpu.memory_space<vmem>>
        %dma_start3A_48 = arith.constant 0 : i32
        %dma_start3A_49 = tpu.memref_slice %arg2[%run_scoped3A, %mul3A_38, %dma_start3A_48] : memref<2x2500x128xi32, #tpu.memory_space<hbm>> -> memref<1x80x128xi32, #tpu.memory_space<hbm>>
        %dma_start3A_50 = tpu.memref_squeeze %dma_start3A_49 : memref<1x80x128xi32, #tpu.memory_space<hbm>> -> memref<80x128xi32, #tpu.memory_space<hbm>>
        %dma_start3A_51 = arith.constant 0 : i32
        %dma_start3A_52 = arith.constant 0 : i32
        %dma_start3A_53 = tpu.memref_slice %arg4[%dma_start3A_51, %dma_start3A_52] : memref<80x128xi32, #tpu.memory_space<vmem>> -> memref<80x128xi32, #tpu.memory_space<vmem>>
        %dma_start3A_54 = arith.constant 0 : i32
        %dma_start3A_55 = tpu.memref_slice %arg2[%run_scoped3A, %mul3A_38, %dma_start3A_54] : memref<2x2500x128xi32, #tpu.memory_space<hbm>> -> memref<1x80x128xi32, #tpu.memory_space<hbm>>
        %dma_start3A_56 = tpu.memref_squeeze %dma_start3A_55 : memref<1x80x128xi32, #tpu.memory_space<hbm>> -> memref<80x128xi32, #tpu.memory_space<hbm>>
        tpu.enqueue_dma source(%dma_start3A_56 : memref<80x128xi32, #tpu.memory_space<hbm>>) target(%dma_start3A_53 : memref<80x128xi32, #tpu.memory_space<vmem>>) target_semaphore(%run_scoped3A_45 : memref<!tpu.dma_semaphore, #tpu.memory_space<semaphore_mem>>)
        %dma_wait3A = arith.constant 0 : i32
        %dma_wait3A_57 = arith.constant 0 : i32
        %dma_wait3A_58 = tpu.memref_slice %arg4[%dma_wait3A, %dma_wait3A_57] : memref<80x128xi32, #tpu.memory_space<vmem>> -> memref<80x128xi32, #tpu.memory_space<vmem>>
        %dma_wait3A_59 = arith.constant 0 : i32
        %dma_wait3A_60 = tpu.memref_slice %arg2[%run_scoped3A, %mul3A_38, %dma_wait3A_59] : memref<2x2500x128xi32, #tpu.memory_space<hbm>> -> memref<1x80x128xi32, #tpu.memory_space<hbm>>
        %dma_wait3A_61 = tpu.memref_squeeze %dma_wait3A_60 : memref<1x80x128xi32, #tpu.memory_space<hbm>> -> memref<80x128xi32, #tpu.memory_space<hbm>>
        %dma_wait3A_62 = arith.constant 0 : i32
        %dma_wait3A_63 = arith.constant 0 : i32
        %dma_wait3A_64 = tpu.memref_slice %arg4[%dma_wait3A_62, %dma_wait3A_63] : memref<80x128xi32, #tpu.memory_space<vmem>> -> memref<80x128xi32, #tpu.memory_space<vmem>>
        %dma_wait3A_65 = arith.constant 0 : i32
        %dma_wait3A_66 = tpu.memref_slice %arg2[%run_scoped3A, %mul3A_38, %dma_wait3A_65] : memref<2x2500x128xi32, #tpu.memory_space<hbm>> -> memref<1x80x128xi32, #tpu.memory_space<hbm>>
        %dma_wait3A_67 = tpu.memref_squeeze %dma_wait3A_66 : memref<1x80x128xi32, #tpu.memory_space<hbm>> -> memref<80x128xi32, #tpu.memory_space<hbm>>
        tpu.wait_dma2 semaphore(%run_scoped3A_45 : memref<!tpu.dma_semaphore, #tpu.memory_space<semaphore_mem>>) src(%dma_wait3A_67 : memref<80x128xi32, #tpu.memory_space<hbm>>) dst(%dma_wait3A_64 : memref<80x128xi32, #tpu.memory_space<vmem>>)
        tpu.yield
      }) : () -> ()
      %scan3A_39 = arith.constant 0 : i32
      %scan3A_40 = arith.constant 0 : i32
      %scan3A_41 = arith.constant 20 : i32
      %scan3A_42 = arith.addi %scan3A_40, %scan3A_41 : i32
      %scan3A_43 = arith.constant 1 : i32
      scf.for %scan3A_45 = %scan3A_40 to %scan3A_42 step %scan3A_43  : i32 {
        %mul3A_46 = arith.constant 4 : i32
        %mul3A_47 = arith.muli %scan3A_45, %mul3A_46 : i32
        %add3A = arith.constant 0 : i32
        %add3A_48 = arith.addi %mul3A_47, %add3A : i32
        %dma_start3A = arith.constant 0 : i32
        %dma_start3A_49 = tpu.memref_slice %arg4[%add3A_48, %dma_start3A] : memref<80x128xi32, #tpu.memory_space<vmem>> -> memref<1x128xi32, #tpu.memory_space<vmem>>
        %dma_start3A_50 = tpu.memref_squeeze %dma_start3A_49 : memref<1x128xi32, #tpu.memory_space<vmem>> -> memref<128xi32, #tpu.memory_space<vmem>>
        %dma_start3A_51 = arith.constant 0 : i32
        %dma_start3A_52 = arith.constant 0 : i32
        %dma_start3A_53 = tpu.memref_slice %arg8[%dma_start3A_51, %dma_start3A_52] : memref<10112x16xf32, #tpu.memory_space<vmem_shared>> -> memref<10112x16xf32, #tpu.memory_space<vmem_shared>>
        tpu.enqueue_indirect_dma source(%arg5 : memref<128x16xf32, #tpu.memory_space<vmem>>) target(%dma_start3A_53 : memref<10112x16xf32, #tpu.memory_space<vmem_shared>>) offsets(%dma_start3A_50 : memref<128xi32, #tpu.memory_space<vmem>>) semaphore(%arg9 : memref<!tpu.dma_semaphore, #tpu.memory_space<semaphore_mem>>) {add = true}
        %add3A_54 = arith.constant 1 : i32
        %add3A_55 = arith.addi %mul3A_47, %add3A_54 : i32
        %dma_start3A_56 = arith.constant 0 : i32
        %dma_start3A_57 = tpu.memref_slice %arg4[%add3A_55, %dma_start3A_56] : memref<80x128xi32, #tpu.memory_space<vmem>> -> memref<1x128xi32, #tpu.memory_space<vmem>>
        %dma_start3A_58 = tpu.memref_squeeze %dma_start3A_57 : memref<1x128xi32, #tpu.memory_space<vmem>> -> memref<128xi32, #tpu.memory_space<vmem>>
        %dma_start3A_59 = arith.constant 0 : i32
        %dma_start3A_60 = arith.constant 0 : i32
        %dma_start3A_61 = tpu.memref_slice %arg8[%dma_start3A_59, %dma_start3A_60] : memref<10112x16xf32, #tpu.memory_space<vmem_shared>> -> memref<10112x16xf32, #tpu.memory_space<vmem_shared>>
        tpu.enqueue_indirect_dma source(%arg5 : memref<128x16xf32, #tpu.memory_space<vmem>>) target(%dma_start3A_61 : memref<10112x16xf32, #tpu.memory_space<vmem_shared>>) offsets(%dma_start3A_58 : memref<128xi32, #tpu.memory_space<vmem>>) semaphore(%arg9 : memref<!tpu.dma_semaphore, #tpu.memory_space<semaphore_mem>>) {add = true}
        %add3A_62 = arith.constant 2 : i32
        %add3A_63 = arith.addi %mul3A_47, %add3A_62 : i32
        %dma_start3A_64 = arith.constant 0 : i32
        %dma_start3A_65 = tpu.memref_slice %arg4[%add3A_63, %dma_start3A_64] : memref<80x128xi32, #tpu.memory_space<vmem>> -> memref<1x128xi32, #tpu.memory_space<vmem>>
        %dma_start3A_66 = tpu.memref_squeeze %dma_start3A_65 : memref<1x128xi32, #tpu.memory_space<vmem>> -> memref<128xi32, #tpu.memory_space<vmem>>
        %dma_start3A_67 = arith.constant 0 : i32
        %dma_start3A_68 = arith.constant 0 : i32
        %dma_start3A_69 = tpu.memref_slice %arg8[%dma_start3A_67, %dma_start3A_68] : memref<10112x16xf32, #tpu.memory_space<vmem_shared>> -> memref<10112x16xf32, #tpu.memory_space<vmem_shared>>
        tpu.enqueue_indirect_dma source(%arg5 : memref<128x16xf32, #tpu.memory_space<vmem>>) target(%dma_start3A_69 : memref<10112x16xf32, #tpu.memory_space<vmem_shared>>) offsets(%dma_start3A_66 : memref<128xi32, #tpu.memory_space<vmem>>) semaphore(%arg9 : memref<!tpu.dma_semaphore, #tpu.memory_space<semaphore_mem>>) {add = true}
        %add3A_70 = arith.constant 3 : i32
        %add3A_71 = arith.addi %mul3A_47, %add3A_70 : i32
        %dma_start3A_72 = arith.constant 0 : i32
        %dma_start3A_73 = tpu.memref_slice %arg4[%add3A_71, %dma_start3A_72] : memref<80x128xi32, #tpu.memory_space<vmem>> -> memref<1x128xi32, #tpu.memory_space<vmem>>
        %dma_start3A_74 = tpu.memref_squeeze %dma_start3A_73 : memref<1x128xi32, #tpu.memory_space<vmem>> -> memref<128xi32, #tpu.memory_space<vmem>>
        %dma_start3A_75 = arith.constant 0 : i32
        %dma_start3A_76 = arith.constant 0 : i32
        %dma_start3A_77 = tpu.memref_slice %arg8[%dma_start3A_75, %dma_start3A_76] : memref<10112x16xf32, #tpu.memory_space<vmem_shared>> -> memref<10112x16xf32, #tpu.memory_space<vmem_shared>>
        tpu.enqueue_indirect_dma source(%arg5 : memref<128x16xf32, #tpu.memory_space<vmem>>) target(%dma_start3A_77 : memref<10112x16xf32, #tpu.memory_space<vmem_shared>>) offsets(%dma_start3A_74 : memref<128xi32, #tpu.memory_space<vmem>>) semaphore(%arg9 : memref<!tpu.dma_semaphore, #tpu.memory_space<semaphore_mem>>) {add = true}
        %dma_wait3A = arith.constant 0 : i32
        %dma_wait3A_78 = tpu.memref_slice %arg4[%add3A_48, %dma_wait3A] : memref<80x128xi32, #tpu.memory_space<vmem>> -> memref<1x128xi32, #tpu.memory_space<vmem>>
        %dma_wait3A_79 = tpu.memref_squeeze %dma_wait3A_78 : memref<1x128xi32, #tpu.memory_space<vmem>> -> memref<128xi32, #tpu.memory_space<vmem>>
        %dma_wait3A_80 = arith.constant 0 : i32
        %dma_wait3A_81 = arith.constant 0 : i32
        %dma_wait3A_82 = tpu.memref_slice %arg8[%dma_wait3A_80, %dma_wait3A_81] : memref<10112x16xf32, #tpu.memory_space<vmem_shared>> -> memref<10112x16xf32, #tpu.memory_space<vmem_shared>>
        tpu.wait_indirect_dma semaphore(%arg9 : memref<!tpu.dma_semaphore, #tpu.memory_space<semaphore_mem>>) src(%arg5 : memref<128x16xf32, #tpu.memory_space<vmem>>) dst(%dma_wait3A_82 : memref<10112x16xf32, #tpu.memory_space<vmem_shared>>)
        %dma_wait3A_83 = arith.constant 0 : i32
        %dma_wait3A_84 = tpu.memref_slice %arg4[%add3A_55, %dma_wait3A_83] : memref<80x128xi32, #tpu.memory_space<vmem>> -> memref<1x128xi32, #tpu.memory_space<vmem>>
        %dma_wait3A_85 = tpu.memref_squeeze %dma_wait3A_84 : memref<1x128xi32, #tpu.memory_space<vmem>> -> memref<128xi32, #tpu.memory_space<vmem>>
        %dma_wait3A_86 = arith.constant 0 : i32
        %dma_wait3A_87 = arith.constant 0 : i32
        %dma_wait3A_88 = tpu.memref_slice %arg8[%dma_wait3A_86, %dma_wait3A_87] : memref<10112x16xf32, #tpu.memory_space<vmem_shared>> -> memref<10112x16xf32, #tpu.memory_space<vmem_shared>>
        tpu.wait_indirect_dma semaphore(%arg9 : memref<!tpu.dma_semaphore, #tpu.memory_space<semaphore_mem>>) src(%arg5 : memref<128x16xf32, #tpu.memory_space<vmem>>) dst(%dma_wait3A_88 : memref<10112x16xf32, #tpu.memory_space<vmem_shared>>)
        %dma_wait3A_89 = arith.constant 0 : i32
        %dma_wait3A_90 = tpu.memref_slice %arg4[%add3A_63, %dma_wait3A_89] : memref<80x128xi32, #tpu.memory_space<vmem>> -> memref<1x128xi32, #tpu.memory_space<vmem>>
        %dma_wait3A_91 = tpu.memref_squeeze %dma_wait3A_90 : memref<1x128xi32, #tpu.memory_space<vmem>> -> memref<128xi32, #tpu.memory_space<vmem>>
        %dma_wait3A_92 = arith.constant 0 : i32
        %dma_wait3A_93 = arith.constant 0 : i32
        %dma_wait3A_94 = tpu.memref_slice %arg8[%dma_wait3A_92, %dma_wait3A_93] : memref<10112x16xf32, #tpu.memory_space<vmem_shared>> -> memref<10112x16xf32, #tpu.memory_space<vmem_shared>>
        tpu.wait_indirect_dma semaphore(%arg9 : memref<!tpu.dma_semaphore, #tpu.memory_space<semaphore_mem>>) src(%arg5 : memref<128x16xf32, #tpu.memory_space<vmem>>) dst(%dma_wait3A_94 : memref<10112x16xf32, #tpu.memory_space<vmem_shared>>)
        %dma_wait3A_95 = arith.constant 0 : i32
        %dma_wait3A_96 = tpu.memref_slice %arg4[%add3A_71, %dma_wait3A_95] : memref<80x128xi32, #tpu.memory_space<vmem>> -> memref<1x128xi32, #tpu.memory_space<vmem>>
        %dma_wait3A_97 = tpu.memref_squeeze %dma_wait3A_96 : memref<1x128xi32, #tpu.memory_space<vmem>> -> memref<128xi32, #tpu.memory_space<vmem>>
        %dma_wait3A_98 = arith.constant 0 : i32
        %dma_wait3A_99 = arith.constant 0 : i32
        %dma_wait3A_100 = tpu.memref_slice %arg8[%dma_wait3A_98, %dma_wait3A_99] : memref<10112x16xf32, #tpu.memory_space<vmem_shared>> -> memref<10112x16xf32, #tpu.memory_space<vmem_shared>>
        tpu.wait_indirect_dma semaphore(%arg9 : memref<!tpu.dma_semaphore, #tpu.memory_space<semaphore_mem>>) src(%arg5 : memref<128x16xf32, #tpu.memory_space<vmem>>) dst(%dma_wait3A_100 : memref<10112x16xf32, #tpu.memory_space<vmem_shared>>)
      }
      %scan3A_44 = arith.constant 20 : i32
    } else {
    }
    %eq3A_14 = arith.constant 1 : i32
    %eq3A_15 = arith.cmpi eq, %arg0, %eq3A_14 : i32
    %convert_element_type3A_16 = arith.extui %eq3A_15 : i1 to i32
    %cond3A_17 = arith.constant 0 : i32
    %cond3A_18 = arith.cmpi ne, %convert_element_type3A_16, %cond3A_17 : i32
    scf.if %cond3A_18 {
      %mul3A_37 = arith.constant 76 : i32
      %mul3A_38 = arith.muli %arg1, %mul3A_37 : i32
      %add3A = arith.constant 1280 : i32
      %add3A_39 = arith.addi %add3A, %mul3A_38 : i32
      %run_scoped3A = arith.constant 1 : i32
      "tpu.region"() ({
        %run_scoped3A_46 = tpu.sem_alloc : memref<!tpu.dma_semaphore, #tpu.memory_space<semaphore_mem>>
        %dma_start3A = arith.constant 0 : i32
        %dma_start3A_47 = arith.constant 0 : i32
        %dma_start3A_48 = tpu.memref_slice %arg4[%dma_start3A, %dma_start3A_47] : memref<80x128xi32, #tpu.memory_space<vmem>> -> memref<76x128xi32, #tpu.memory_space<vmem>>
        %dma_start3A_49 = arith.constant 0 : i32
        %dma_start3A_50 = tpu.memref_slice %arg2[%run_scoped3A, %add3A_39, %dma_start3A_49] : memref<2x2500x128xi32, #tpu.memory_space<hbm>> -> memref<1x76x128xi32, #tpu.memory_space<hbm>>
        %dma_start3A_51 = tpu.memref_squeeze %dma_start3A_50 : memref<1x76x128xi32, #tpu.memory_space<hbm>> -> memref<76x128xi32, #tpu.memory_space<hbm>>
        %dma_start3A_52 = arith.constant 0 : i32
        %dma_start3A_53 = arith.constant 0 : i32
        %dma_start3A_54 = tpu.memref_slice %arg4[%dma_start3A_52, %dma_start3A_53] : memref<80x128xi32, #tpu.memory_space<vmem>> -> memref<76x128xi32, #tpu.memory_space<vmem>>
        %dma_start3A_55 = arith.constant 0 : i32
        %dma_start3A_56 = tpu.memref_slice %arg2[%run_scoped3A, %add3A_39, %dma_start3A_55] : memref<2x2500x128xi32, #tpu.memory_space<hbm>> -> memref<1x76x128xi32, #tpu.memory_space<hbm>>
        %dma_start3A_57 = tpu.memref_squeeze %dma_start3A_56 : memref<1x76x128xi32, #tpu.memory_space<hbm>> -> memref<76x128xi32, #tpu.memory_space<hbm>>
        tpu.enqueue_dma source(%dma_start3A_57 : memref<76x128xi32, #tpu.memory_space<hbm>>) target(%dma_start3A_54 : memref<76x128xi32, #tpu.memory_space<vmem>>) target_semaphore(%run_scoped3A_46 : memref<!tpu.dma_semaphore, #tpu.memory_space<semaphore_mem>>)
        %dma_wait3A = arith.constant 0 : i32
        %dma_wait3A_58 = arith.constant 0 : i32
        %dma_wait3A_59 = tpu.memref_slice %arg4[%dma_wait3A, %dma_wait3A_58] : memref<80x128xi32, #tpu.memory_space<vmem>> -> memref<76x128xi32, #tpu.memory_space<vmem>>
        %dma_wait3A_60 = arith.constant 0 : i32
        %dma_wait3A_61 = tpu.memref_slice %arg2[%run_scoped3A, %add3A_39, %dma_wait3A_60] : memref<2x2500x128xi32, #tpu.memory_space<hbm>> -> memref<1x76x128xi32, #tpu.memory_space<hbm>>
        %dma_wait3A_62 = tpu.memref_squeeze %dma_wait3A_61 : memref<1x76x128xi32, #tpu.memory_space<hbm>> -> memref<76x128xi32, #tpu.memory_space<hbm>>
        %dma_wait3A_63 = arith.constant 0 : i32
        %dma_wait3A_64 = arith.constant 0 : i32
        %dma_wait3A_65 = tpu.memref_slice %arg4[%dma_wait3A_63, %dma_wait3A_64] : memref<80x128xi32, #tpu.memory_space<vmem>> -> memref<76x128xi32, #tpu.memory_space<vmem>>
        %dma_wait3A_66 = arith.constant 0 : i32
        %dma_wait3A_67 = tpu.memref_slice %arg2[%run_scoped3A, %add3A_39, %dma_wait3A_66] : memref<2x2500x128xi32, #tpu.memory_space<hbm>> -> memref<1x76x128xi32, #tpu.memory_space<hbm>>
        %dma_wait3A_68 = tpu.memref_squeeze %dma_wait3A_67 : memref<1x76x128xi32, #tpu.memory_space<hbm>> -> memref<76x128xi32, #tpu.memory_space<hbm>>
        tpu.wait_dma2 semaphore(%run_scoped3A_46 : memref<!tpu.dma_semaphore, #tpu.memory_space<semaphore_mem>>) src(%dma_wait3A_68 : memref<76x128xi32, #tpu.memory_space<hbm>>) dst(%dma_wait3A_65 : memref<76x128xi32, #tpu.memory_space<vmem>>)
        tpu.yield
      }) : () -> ()
      %scan3A_40 = arith.constant 0 : i32
      %scan3A_41 = arith.constant 0 : i32
      %scan3A_42 = arith.constant 19 : i32
      %scan3A_43 = arith.addi %scan3A_41, %scan3A_42 : i32
      %scan3A_44 = arith.constant 1 : i32
      scf.for %scan3A_46 = %scan3A_41 to %scan3A_43 step %scan3A_44  : i32 {
        %mul3A_47 = arith.constant 4 : i32
        %mul3A_48 = arith.muli %scan3A_46, %mul3A_47 : i32
        %add3A_49 = arith.constant 0 : i32
        %add3A_50 = arith.addi %mul3A_48, %add3A_49 : i32
        %dma_start3A = arith.constant 0 : i32
        %dma_start3A_51 = tpu.memref_slice %arg4[%add3A_50, %dma_start3A] : memref<80x128xi32, #tpu.memory_space<vmem>> -> memref<1x128xi32, #tpu.memory_space<vmem>>
        %dma_start3A_52 = tpu.memref_squeeze %dma_start3A_51 : memref<1x128xi32, #tpu.memory_space<vmem>> -> memref<128xi32, #tpu.memory_space<vmem>>
        %dma_start3A_53 = arith.constant 0 : i32
        %dma_start3A_54 = arith.constant 0 : i32
        %dma_start3A_55 = tpu.memref_slice %arg8[%dma_start3A_53, %dma_start3A_54] : memref<10112x16xf32, #tpu.memory_space<vmem_shared>> -> memref<10112x16xf32, #tpu.memory_space<vmem_shared>>
        tpu.enqueue_indirect_dma source(%arg5 : memref<128x16xf32, #tpu.memory_space<vmem>>) target(%dma_start3A_55 : memref<10112x16xf32, #tpu.memory_space<vmem_shared>>) offsets(%dma_start3A_52 : memref<128xi32, #tpu.memory_space<vmem>>) semaphore(%arg9 : memref<!tpu.dma_semaphore, #tpu.memory_space<semaphore_mem>>) {add = true}
        %add3A_56 = arith.constant 1 : i32
        %add3A_57 = arith.addi %mul3A_48, %add3A_56 : i32
        %dma_start3A_58 = arith.constant 0 : i32
        %dma_start3A_59 = tpu.memref_slice %arg4[%add3A_57, %dma_start3A_58] : memref<80x128xi32, #tpu.memory_space<vmem>> -> memref<1x128xi32, #tpu.memory_space<vmem>>
        %dma_start3A_60 = tpu.memref_squeeze %dma_start3A_59 : memref<1x128xi32, #tpu.memory_space<vmem>> -> memref<128xi32, #tpu.memory_space<vmem>>
        %dma_start3A_61 = arith.constant 0 : i32
        %dma_start3A_62 = arith.constant 0 : i32
        %dma_start3A_63 = tpu.memref_slice %arg8[%dma_start3A_61, %dma_start3A_62] : memref<10112x16xf32, #tpu.memory_space<vmem_shared>> -> memref<10112x16xf32, #tpu.memory_space<vmem_shared>>
        tpu.enqueue_indirect_dma source(%arg5 : memref<128x16xf32, #tpu.memory_space<vmem>>) target(%dma_start3A_63 : memref<10112x16xf32, #tpu.memory_space<vmem_shared>>) offsets(%dma_start3A_60 : memref<128xi32, #tpu.memory_space<vmem>>) semaphore(%arg9 : memref<!tpu.dma_semaphore, #tpu.memory_space<semaphore_mem>>) {add = true}
        %add3A_64 = arith.constant 2 : i32
        %add3A_65 = arith.addi %mul3A_48, %add3A_64 : i32
        %dma_start3A_66 = arith.constant 0 : i32
        %dma_start3A_67 = tpu.memref_slice %arg4[%add3A_65, %dma_start3A_66] : memref<80x128xi32, #tpu.memory_space<vmem>> -> memref<1x128xi32, #tpu.memory_space<vmem>>
        %dma_start3A_68 = tpu.memref_squeeze %dma_start3A_67 : memref<1x128xi32, #tpu.memory_space<vmem>> -> memref<128xi32, #tpu.memory_space<vmem>>
        %dma_start3A_69 = arith.constant 0 : i32
        %dma_start3A_70 = arith.constant 0 : i32
        %dma_start3A_71 = tpu.memref_slice %arg8[%dma_start3A_69, %dma_start3A_70] : memref<10112x16xf32, #tpu.memory_space<vmem_shared>> -> memref<10112x16xf32, #tpu.memory_space<vmem_shared>>
        tpu.enqueue_indirect_dma source(%arg5 : memref<128x16xf32, #tpu.memory_space<vmem>>) target(%dma_start3A_71 : memref<10112x16xf32, #tpu.memory_space<vmem_shared>>) offsets(%dma_start3A_68 : memref<128xi32, #tpu.memory_space<vmem>>) semaphore(%arg9 : memref<!tpu.dma_semaphore, #tpu.memory_space<semaphore_mem>>) {add = true}
        %add3A_72 = arith.constant 3 : i32
        %add3A_73 = arith.addi %mul3A_48, %add3A_72 : i32
        %dma_start3A_74 = arith.constant 0 : i32
        %dma_start3A_75 = tpu.memref_slice %arg4[%add3A_73, %dma_start3A_74] : memref<80x128xi32, #tpu.memory_space<vmem>> -> memref<1x128xi32, #tpu.memory_space<vmem>>
        %dma_start3A_76 = tpu.memref_squeeze %dma_start3A_75 : memref<1x128xi32, #tpu.memory_space<vmem>> -> memref<128xi32, #tpu.memory_space<vmem>>
        %dma_start3A_77 = arith.constant 0 : i32
        %dma_start3A_78 = arith.constant 0 : i32
        %dma_start3A_79 = tpu.memref_slice %arg8[%dma_start3A_77, %dma_start3A_78] : memref<10112x16xf32, #tpu.memory_space<vmem_shared>> -> memref<10112x16xf32, #tpu.memory_space<vmem_shared>>
        tpu.enqueue_indirect_dma source(%arg5 : memref<128x16xf32, #tpu.memory_space<vmem>>) target(%dma_start3A_79 : memref<10112x16xf32, #tpu.memory_space<vmem_shared>>) offsets(%dma_start3A_76 : memref<128xi32, #tpu.memory_space<vmem>>) semaphore(%arg9 : memref<!tpu.dma_semaphore, #tpu.memory_space<semaphore_mem>>) {add = true}
        %dma_wait3A = arith.constant 0 : i32
        %dma_wait3A_80 = tpu.memref_slice %arg4[%add3A_50, %dma_wait3A] : memref<80x128xi32, #tpu.memory_space<vmem>> -> memref<1x128xi32, #tpu.memory_space<vmem>>
        %dma_wait3A_81 = tpu.memref_squeeze %dma_wait3A_80 : memref<1x128xi32, #tpu.memory_space<vmem>> -> memref<128xi32, #tpu.memory_space<vmem>>
        %dma_wait3A_82 = arith.constant 0 : i32
        %dma_wait3A_83 = arith.constant 0 : i32
        %dma_wait3A_84 = tpu.memref_slice %arg8[%dma_wait3A_82, %dma_wait3A_83] : memref<10112x16xf32, #tpu.memory_space<vmem_shared>> -> memref<10112x16xf32, #tpu.memory_space<vmem_shared>>
        tpu.wait_indirect_dma semaphore(%arg9 : memref<!tpu.dma_semaphore, #tpu.memory_space<semaphore_mem>>) src(%arg5 : memref<128x16xf32, #tpu.memory_space<vmem>>) dst(%dma_wait3A_84 : memref<10112x16xf32, #tpu.memory_space<vmem_shared>>)
        %dma_wait3A_85 = arith.constant 0 : i32
        %dma_wait3A_86 = tpu.memref_slice %arg4[%add3A_57, %dma_wait3A_85] : memref<80x128xi32, #tpu.memory_space<vmem>> -> memref<1x128xi32, #tpu.memory_space<vmem>>
        %dma_wait3A_87 = tpu.memref_squeeze %dma_wait3A_86 : memref<1x128xi32, #tpu.memory_space<vmem>> -> memref<128xi32, #tpu.memory_space<vmem>>
        %dma_wait3A_88 = arith.constant 0 : i32
        %dma_wait3A_89 = arith.constant 0 : i32
        %dma_wait3A_90 = tpu.memref_slice %arg8[%dma_wait3A_88, %dma_wait3A_89] : memref<10112x16xf32, #tpu.memory_space<vmem_shared>> -> memref<10112x16xf32, #tpu.memory_space<vmem_shared>>
        tpu.wait_indirect_dma semaphore(%arg9 : memref<!tpu.dma_semaphore, #tpu.memory_space<semaphore_mem>>) src(%arg5 : memref<128x16xf32, #tpu.memory_space<vmem>>) dst(%dma_wait3A_90 : memref<10112x16xf32, #tpu.memory_space<vmem_shared>>)
        %dma_wait3A_91 = arith.constant 0 : i32
        %dma_wait3A_92 = tpu.memref_slice %arg4[%add3A_65, %dma_wait3A_91] : memref<80x128xi32, #tpu.memory_space<vmem>> -> memref<1x128xi32, #tpu.memory_space<vmem>>
        %dma_wait3A_93 = tpu.memref_squeeze %dma_wait3A_92 : memref<1x128xi32, #tpu.memory_space<vmem>> -> memref<128xi32, #tpu.memory_space<vmem>>
        %dma_wait3A_94 = arith.constant 0 : i32
        %dma_wait3A_95 = arith.constant 0 : i32
        %dma_wait3A_96 = tpu.memref_slice %arg8[%dma_wait3A_94, %dma_wait3A_95] : memref<10112x16xf32, #tpu.memory_space<vmem_shared>> -> memref<10112x16xf32, #tpu.memory_space<vmem_shared>>
        tpu.wait_indirect_dma semaphore(%arg9 : memref<!tpu.dma_semaphore, #tpu.memory_space<semaphore_mem>>) src(%arg5 : memref<128x16xf32, #tpu.memory_space<vmem>>) dst(%dma_wait3A_96 : memref<10112x16xf32, #tpu.memory_space<vmem_shared>>)
        %dma_wait3A_97 = arith.constant 0 : i32
        %dma_wait3A_98 = tpu.memref_slice %arg4[%add3A_73, %dma_wait3A_97] : memref<80x128xi32, #tpu.memory_space<vmem>> -> memref<1x128xi32, #tpu.memory_space<vmem>>
        %dma_wait3A_99 = tpu.memref_squeeze %dma_wait3A_98 : memref<1x128xi32, #tpu.memory_space<vmem>> -> memref<128xi32, #tpu.memory_space<vmem>>
        %dma_wait3A_100 = arith.constant 0 : i32
        %dma_wait3A_101 = arith.constant 0 : i32
        %dma_wait3A_102 = tpu.memref_slice %arg8[%dma_wait3A_100, %dma_wait3A_101] : memref<10112x16xf32, #tpu.memory_space<vmem_shared>> -> memref<10112x16xf32, #tpu.memory_space<vmem_shared>>
        tpu.wait_indirect_dma semaphore(%arg9 : memref<!tpu.dma_semaphore, #tpu.memory_space<semaphore_mem>>) src(%arg5 : memref<128x16xf32, #tpu.memory_space<vmem>>) dst(%dma_wait3A_102 : memref<10112x16xf32, #tpu.memory_space<vmem_shared>>)
      }
      %scan3A_45 = arith.constant 19 : i32
    } else {
    }
    %eq3A_19 = arith.constant 1 : i32
    %eq3A_20 = arith.cmpi eq, %arg0, %eq3A_19 : i32
    %eq3A_21 = arith.constant 15 : i32
    %eq3A_22 = arith.cmpi eq, %arg1, %eq3A_21 : i32
    %and3A = arith.andi %eq3A_20, %eq3A_22 : i1
    %convert_element_type3A_23 = arith.extui %and3A : i1 to i32
    %cond3A_24 = arith.constant 0 : i32
    %cond3A_25 = arith.cmpi ne, %convert_element_type3A_23, %cond3A_24 : i32
    scf.if %cond3A_25 {
      %run_scoped3A = arith.constant 1 : i32
      "tpu.region"() ({
        %run_scoped3A_95 = tpu.sem_alloc : memref<!tpu.dma_semaphore, #tpu.memory_space<semaphore_mem>>
        %dma_start3A_96 = arith.constant 0 : i32
        %dma_start3A_97 = arith.constant 0 : i32
        %dma_start3A_98 = tpu.memref_slice %arg4[%dma_start3A_96, %dma_start3A_97] : memref<80x128xi32, #tpu.memory_space<vmem>> -> memref<4x128xi32, #tpu.memory_space<vmem>>
        %dma_start3A_99 = arith.constant 2496 : i32
        %dma_start3A_100 = arith.constant 0 : i32
        %dma_start3A_101 = tpu.memref_slice %arg2[%run_scoped3A, %dma_start3A_99, %dma_start3A_100] : memref<2x2500x128xi32, #tpu.memory_space<hbm>> -> memref<1x4x128xi32, #tpu.memory_space<hbm>>
        %dma_start3A_102 = tpu.memref_squeeze %dma_start3A_101 : memref<1x4x128xi32, #tpu.memory_space<hbm>> -> memref<4x128xi32, #tpu.memory_space<hbm>>
        %dma_start3A_103 = arith.constant 0 : i32
        %dma_start3A_104 = arith.constant 0 : i32
        %dma_start3A_105 = tpu.memref_slice %arg4[%dma_start3A_103, %dma_start3A_104] : memref<80x128xi32, #tpu.memory_space<vmem>> -> memref<4x128xi32, #tpu.memory_space<vmem>>
        %dma_start3A_106 = arith.constant 2496 : i32
        %dma_start3A_107 = arith.constant 0 : i32
        %dma_start3A_108 = tpu.memref_slice %arg2[%run_scoped3A, %dma_start3A_106, %dma_start3A_107] : memref<2x2500x128xi32, #tpu.memory_space<hbm>> -> memref<1x4x128xi32, #tpu.memory_space<hbm>>
        %dma_start3A_109 = tpu.memref_squeeze %dma_start3A_108 : memref<1x4x128xi32, #tpu.memory_space<hbm>> -> memref<4x128xi32, #tpu.memory_space<hbm>>
        tpu.enqueue_dma source(%dma_start3A_109 : memref<4x128xi32, #tpu.memory_space<hbm>>) target(%dma_start3A_105 : memref<4x128xi32, #tpu.memory_space<vmem>>) target_semaphore(%run_scoped3A_95 : memref<!tpu.dma_semaphore, #tpu.memory_space<semaphore_mem>>)
        %dma_wait3A_110 = arith.constant 0 : i32
        %dma_wait3A_111 = arith.constant 0 : i32
        %dma_wait3A_112 = tpu.memref_slice %arg4[%dma_wait3A_110, %dma_wait3A_111] : memref<80x128xi32, #tpu.memory_space<vmem>> -> memref<4x128xi32, #tpu.memory_space<vmem>>
        %dma_wait3A_113 = arith.constant 2496 : i32
        %dma_wait3A_114 = arith.constant 0 : i32
        %dma_wait3A_115 = tpu.memref_slice %arg2[%run_scoped3A, %dma_wait3A_113, %dma_wait3A_114] : memref<2x2500x128xi32, #tpu.memory_space<hbm>> -> memref<1x4x128xi32, #tpu.memory_space<hbm>>
        %dma_wait3A_116 = tpu.memref_squeeze %dma_wait3A_115 : memref<1x4x128xi32, #tpu.memory_space<hbm>> -> memref<4x128xi32, #tpu.memory_space<hbm>>
        %dma_wait3A_117 = arith.constant 0 : i32
        %dma_wait3A_118 = arith.constant 0 : i32
        %dma_wait3A_119 = tpu.memref_slice %arg4[%dma_wait3A_117, %dma_wait3A_118] : memref<80x128xi32, #tpu.memory_space<vmem>> -> memref<4x128xi32, #tpu.memory_space<vmem>>
        %dma_wait3A_120 = arith.constant 2496 : i32
        %dma_wait3A_121 = arith.constant 0 : i32
        %dma_wait3A_122 = tpu.memref_slice %arg2[%run_scoped3A, %dma_wait3A_120, %dma_wait3A_121] : memref<2x2500x128xi32, #tpu.memory_space<hbm>> -> memref<1x4x128xi32, #tpu.memory_space<hbm>>
        %dma_wait3A_123 = tpu.memref_squeeze %dma_wait3A_122 : memref<1x4x128xi32, #tpu.memory_space<hbm>> -> memref<4x128xi32, #tpu.memory_space<hbm>>
        tpu.wait_dma2 semaphore(%run_scoped3A_95 : memref<!tpu.dma_semaphore, #tpu.memory_space<semaphore_mem>>) src(%dma_wait3A_123 : memref<4x128xi32, #tpu.memory_space<hbm>>) dst(%dma_wait3A_119 : memref<4x128xi32, #tpu.memory_space<vmem>>)
        tpu.yield
      }) : () -> ()
      %scan3A_37 = arith.constant 0 : i32
      %scan3A_38 = arith.constant 0 : i32
      %mul3A_39 = arith.constant 4 : i32
      %mul3A_40 = arith.muli %scan3A_38, %mul3A_39 : i32
      %add3A = arith.constant 0 : i32
      %add3A_41 = arith.addi %mul3A_40, %add3A : i32
      %dma_start3A = arith.constant 0 : i32
      %dma_start3A_42 = tpu.memref_slice %arg4[%add3A_41, %dma_start3A] : memref<80x128xi32, #tpu.memory_space<vmem>> -> memref<1x128xi32, #tpu.memory_space<vmem>>
      %dma_start3A_43 = tpu.memref_squeeze %dma_start3A_42 : memref<1x128xi32, #tpu.memory_space<vmem>> -> memref<128xi32, #tpu.memory_space<vmem>>
      %dma_start3A_44 = arith.constant 0 : i32
      %dma_start3A_45 = arith.constant 0 : i32
      %dma_start3A_46 = tpu.memref_slice %arg8[%dma_start3A_44, %dma_start3A_45] : memref<10112x16xf32, #tpu.memory_space<vmem_shared>> -> memref<10112x16xf32, #tpu.memory_space<vmem_shared>>
      tpu.enqueue_indirect_dma source(%arg5 : memref<128x16xf32, #tpu.memory_space<vmem>>) target(%dma_start3A_46 : memref<10112x16xf32, #tpu.memory_space<vmem_shared>>) offsets(%dma_start3A_43 : memref<128xi32, #tpu.memory_space<vmem>>) semaphore(%arg9 : memref<!tpu.dma_semaphore, #tpu.memory_space<semaphore_mem>>) {add = true}
      %add3A_47 = arith.constant 1 : i32
      %add3A_48 = arith.addi %mul3A_40, %add3A_47 : i32
      %dma_start3A_49 = arith.constant 0 : i32
      %dma_start3A_50 = tpu.memref_slice %arg4[%add3A_48, %dma_start3A_49] : memref<80x128xi32, #tpu.memory_space<vmem>> -> memref<1x128xi32, #tpu.memory_space<vmem>>
      %dma_start3A_51 = tpu.memref_squeeze %dma_start3A_50 : memref<1x128xi32, #tpu.memory_space<vmem>> -> memref<128xi32, #tpu.memory_space<vmem>>
      %dma_start3A_52 = arith.constant 0 : i32
      %dma_start3A_53 = arith.constant 0 : i32
      %dma_start3A_54 = tpu.memref_slice %arg8[%dma_start3A_52, %dma_start3A_53] : memref<10112x16xf32, #tpu.memory_space<vmem_shared>> -> memref<10112x16xf32, #tpu.memory_space<vmem_shared>>
      tpu.enqueue_indirect_dma source(%arg5 : memref<128x16xf32, #tpu.memory_space<vmem>>) target(%dma_start3A_54 : memref<10112x16xf32, #tpu.memory_space<vmem_shared>>) offsets(%dma_start3A_51 : memref<128xi32, #tpu.memory_space<vmem>>) semaphore(%arg9 : memref<!tpu.dma_semaphore, #tpu.memory_space<semaphore_mem>>) {add = true}
      %add3A_55 = arith.constant 2 : i32
      %add3A_56 = arith.addi %mul3A_40, %add3A_55 : i32
      %dma_start3A_57 = arith.constant 0 : i32
      %dma_start3A_58 = tpu.memref_slice %arg4[%add3A_56, %dma_start3A_57] : memref<80x128xi32, #tpu.memory_space<vmem>> -> memref<1x128xi32, #tpu.memory_space<vmem>>
      %dma_start3A_59 = tpu.memref_squeeze %dma_start3A_58 : memref<1x128xi32, #tpu.memory_space<vmem>> -> memref<128xi32, #tpu.memory_space<vmem>>
      %dma_start3A_60 = arith.constant 0 : i32
      %dma_start3A_61 = arith.constant 0 : i32
      %dma_start3A_62 = tpu.memref_slice %arg8[%dma_start3A_60, %dma_start3A_61] : memref<10112x16xf32, #tpu.memory_space<vmem_shared>> -> memref<10112x16xf32, #tpu.memory_space<vmem_shared>>
      tpu.enqueue_indirect_dma source(%arg5 : memref<128x16xf32, #tpu.memory_space<vmem>>) target(%dma_start3A_62 : memref<10112x16xf32, #tpu.memory_space<vmem_shared>>) offsets(%dma_start3A_59 : memref<128xi32, #tpu.memory_space<vmem>>) semaphore(%arg9 : memref<!tpu.dma_semaphore, #tpu.memory_space<semaphore_mem>>) {add = true}
      %add3A_63 = arith.constant 3 : i32
      %add3A_64 = arith.addi %mul3A_40, %add3A_63 : i32
      %dma_start3A_65 = arith.constant 0 : i32
      %dma_start3A_66 = tpu.memref_slice %arg4[%add3A_64, %dma_start3A_65] : memref<80x128xi32, #tpu.memory_space<vmem>> -> memref<1x128xi32, #tpu.memory_space<vmem>>
      %dma_start3A_67 = tpu.memref_squeeze %dma_start3A_66 : memref<1x128xi32, #tpu.memory_space<vmem>> -> memref<128xi32, #tpu.memory_space<vmem>>
      %dma_start3A_68 = arith.constant 0 : i32
      %dma_start3A_69 = arith.constant 0 : i32
      %dma_start3A_70 = tpu.memref_slice %arg8[%dma_start3A_68, %dma_start3A_69] : memref<10112x16xf32, #tpu.memory_space<vmem_shared>> -> memref<10112x16xf32, #tpu.memory_space<vmem_shared>>
      tpu.enqueue_indirect_dma source(%arg5 : memref<128x16xf32, #tpu.memory_space<vmem>>) target(%dma_start3A_70 : memref<10112x16xf32, #tpu.memory_space<vmem_shared>>) offsets(%dma_start3A_67 : memref<128xi32, #tpu.memory_space<vmem>>) semaphore(%arg9 : memref<!tpu.dma_semaphore, #tpu.memory_space<semaphore_mem>>) {add = true}
      %dma_wait3A = arith.constant 0 : i32
      %dma_wait3A_71 = tpu.memref_slice %arg4[%add3A_41, %dma_wait3A] : memref<80x128xi32, #tpu.memory_space<vmem>> -> memref<1x128xi32, #tpu.memory_space<vmem>>
      %dma_wait3A_72 = tpu.memref_squeeze %dma_wait3A_71 : memref<1x128xi32, #tpu.memory_space<vmem>> -> memref<128xi32, #tpu.memory_space<vmem>>
      %dma_wait3A_73 = arith.constant 0 : i32
      %dma_wait3A_74 = arith.constant 0 : i32
      %dma_wait3A_75 = tpu.memref_slice %arg8[%dma_wait3A_73, %dma_wait3A_74] : memref<10112x16xf32, #tpu.memory_space<vmem_shared>> -> memref<10112x16xf32, #tpu.memory_space<vmem_shared>>
      tpu.wait_indirect_dma semaphore(%arg9 : memref<!tpu.dma_semaphore, #tpu.memory_space<semaphore_mem>>) src(%arg5 : memref<128x16xf32, #tpu.memory_space<vmem>>) dst(%dma_wait3A_75 : memref<10112x16xf32, #tpu.memory_space<vmem_shared>>)
      %dma_wait3A_76 = arith.constant 0 : i32
      %dma_wait3A_77 = tpu.memref_slice %arg4[%add3A_48, %dma_wait3A_76] : memref<80x128xi32, #tpu.memory_space<vmem>> -> memref<1x128xi32, #tpu.memory_space<vmem>>
      %dma_wait3A_78 = tpu.memref_squeeze %dma_wait3A_77 : memref<1x128xi32, #tpu.memory_space<vmem>> -> memref<128xi32, #tpu.memory_space<vmem>>
      %dma_wait3A_79 = arith.constant 0 : i32
      %dma_wait3A_80 = arith.constant 0 : i32
      %dma_wait3A_81 = tpu.memref_slice %arg8[%dma_wait3A_79, %dma_wait3A_80] : memref<10112x16xf32, #tpu.memory_space<vmem_shared>> -> memref<10112x16xf32, #tpu.memory_space<vmem_shared>>
      tpu.wait_indirect_dma semaphore(%arg9 : memref<!tpu.dma_semaphore, #tpu.memory_space<semaphore_mem>>) src(%arg5 : memref<128x16xf32, #tpu.memory_space<vmem>>) dst(%dma_wait3A_81 : memref<10112x16xf32, #tpu.memory_space<vmem_shared>>)
      %dma_wait3A_82 = arith.constant 0 : i32
      %dma_wait3A_83 = tpu.memref_slice %arg4[%add3A_56, %dma_wait3A_82] : memref<80x128xi32, #tpu.memory_space<vmem>> -> memref<1x128xi32, #tpu.memory_space<vmem>>
      %dma_wait3A_84 = tpu.memref_squeeze %dma_wait3A_83 : memref<1x128xi32, #tpu.memory_space<vmem>> -> memref<128xi32, #tpu.memory_space<vmem>>
      %dma_wait3A_85 = arith.constant 0 : i32
      %dma_wait3A_86 = arith.constant 0 : i32
      %dma_wait3A_87 = tpu.memref_slice %arg8[%dma_wait3A_85, %dma_wait3A_86] : memref<10112x16xf32, #tpu.memory_space<vmem_shared>> -> memref<10112x16xf32, #tpu.memory_space<vmem_shared>>
      tpu.wait_indirect_dma semaphore(%arg9 : memref<!tpu.dma_semaphore, #tpu.memory_space<semaphore_mem>>) src(%arg5 : memref<128x16xf32, #tpu.memory_space<vmem>>) dst(%dma_wait3A_87 : memref<10112x16xf32, #tpu.memory_space<vmem_shared>>)
      %dma_wait3A_88 = arith.constant 0 : i32
      %dma_wait3A_89 = tpu.memref_slice %arg4[%add3A_64, %dma_wait3A_88] : memref<80x128xi32, #tpu.memory_space<vmem>> -> memref<1x128xi32, #tpu.memory_space<vmem>>
      %dma_wait3A_90 = tpu.memref_squeeze %dma_wait3A_89 : memref<1x128xi32, #tpu.memory_space<vmem>> -> memref<128xi32, #tpu.memory_space<vmem>>
      %dma_wait3A_91 = arith.constant 0 : i32
      %dma_wait3A_92 = arith.constant 0 : i32
      %dma_wait3A_93 = tpu.memref_slice %arg8[%dma_wait3A_91, %dma_wait3A_92] : memref<10112x16xf32, #tpu.memory_space<vmem_shared>> -> memref<10112x16xf32, #tpu.memory_space<vmem_shared>>
      tpu.wait_indirect_dma semaphore(%arg9 : memref<!tpu.dma_semaphore, #tpu.memory_space<semaphore_mem>>) src(%arg5 : memref<128x16xf32, #tpu.memory_space<vmem>>) dst(%dma_wait3A_93 : memref<10112x16xf32, #tpu.memory_space<vmem_shared>>)
      %scan3A_94 = arith.constant 1 : i32
    } else {
    }
    %barrier3A_26 = arith.constant 0 : index
    tpu.barrier barrier_id(%barrier3A_26)
    %mul3A_27 = arith.constant 632 : i32
    %mul3A_28 = arith.muli %arg1, %mul3A_27 : i32
    "tpu.region"() ({
      %run_scoped3A = tpu.sem_alloc : memref<!tpu.dma_semaphore, #tpu.memory_space<semaphore_mem>>
      %dma_start3A = arith.constant 0 : i32
      %dma_start3A_37 = tpu.memref_slice %arg8[%mul3A_28, %dma_start3A] : memref<10112x16xf32, #tpu.memory_space<vmem_shared>> -> memref<632x16xf32, #tpu.memory_space<vmem_shared>>
      %dma_start3A_38 = arith.constant 0 : i32
      %dma_start3A_39 = tpu.memref_slice %arg8[%mul3A_28, %dma_start3A_38] : memref<10112x16xf32, #tpu.memory_space<vmem_shared>> -> memref<632x16xf32, #tpu.memory_space<vmem_shared>>
      tpu.enqueue_dma source(%dma_start3A_39 : memref<632x16xf32, #tpu.memory_space<vmem_shared>>) target(%arg6 : memref<632x16xf32, #tpu.memory_space<vmem>>) target_semaphore(%run_scoped3A : memref<!tpu.dma_semaphore, #tpu.memory_space<semaphore_mem>>)
      %dma_wait3A = arith.constant 0 : i32
      %dma_wait3A_40 = tpu.memref_slice %arg8[%mul3A_28, %dma_wait3A] : memref<10112x16xf32, #tpu.memory_space<vmem_shared>> -> memref<632x16xf32, #tpu.memory_space<vmem_shared>>
      %dma_wait3A_41 = arith.constant 0 : i32
      %dma_wait3A_42 = tpu.memref_slice %arg8[%mul3A_28, %dma_wait3A_41] : memref<10112x16xf32, #tpu.memory_space<vmem_shared>> -> memref<632x16xf32, #tpu.memory_space<vmem_shared>>
      tpu.wait_dma2 semaphore(%run_scoped3A : memref<!tpu.dma_semaphore, #tpu.memory_space<semaphore_mem>>) src(%dma_wait3A_42 : memref<632x16xf32, #tpu.memory_space<vmem_shared>>) dst(%arg6 : memref<632x16xf32, #tpu.memory_space<vmem>>)
      tpu.yield
    }) : () -> ()
    %scan3A_29 = arith.constant 0 : i32
    %scan3A_30 = arith.constant 0 : i32
    %scan3A_31 = arith.constant 79 : i32
    %scan3A_32 = arith.addi %scan3A_30, %scan3A_31 : i32
    %scan3A_33 = arith.constant 1 : i32
    scf.for %scan3A_37 = %scan3A_30 to %scan3A_32 step %scan3A_33  : i32 {
      %mul3A_38 = arith.constant 8 : i32
      %mul3A_39 = arith.muli %scan3A_37, %mul3A_38 : i32
      %add3A = arith.constant 0 : i32
      %add3A_40 = arith.addi %mul3A_39, %add3A : i32
      %get3A = arith.index_cast %add3A_40 : i32 to index
      %get3A_41 = arith.constant 0 : index
      %get3A_42 = tpu.vector_load %arg6[%get3A, %get3A_41] {strides = array<i32>} : memref<632x16xf32, #tpu.memory_space<vmem>>, vector<1x16xf32>,
      %get3A_43 = vector.shape_cast %get3A_42 : vector<1x16xf32> to vector<16xf32>
      %swap3A = arith.index_cast %scan3A_37 : i32 to index
      %swap3A_44 = arith.constant 0 : index
      %swap3A_45 = tpu.vector_load %arg7[%swap3A, %swap3A_44] {strides = array<i32>} : memref<79x128xf32, #tpu.memory_space<vmem>>, vector<1x16xf32>,
      %swap3A_46 = vector.shape_cast %swap3A_45 : vector<1x16xf32> to vector<16xf32>
      %swap3A_47 = vector.shape_cast %get3A_43 : vector<16xf32> to vector<1x16xf32>
      tpu.vector_store %arg7[%swap3A, %swap3A_44], %swap3A_47 {strides = array<i32>} : memref<79x128xf32, #tpu.memory_space<vmem>>, vector<1x16xf32>,
      %mul3A_48 = arith.constant 8 : i32
      %mul3A_49 = arith.muli %scan3A_37, %mul3A_48 : i32
      %add3A_50 = arith.constant 1 : i32
      %add3A_51 = arith.addi %mul3A_49, %add3A_50 : i32
      %get3A_52 = arith.index_cast %add3A_51 : i32 to index
      %get3A_53 = arith.constant 0 : index
      %get3A_54 = tpu.vector_load %arg6[%get3A_52, %get3A_53] {strides = array<i32>} : memref<632x16xf32, #tpu.memory_space<vmem>>, vector<1x16xf32>,
      %get3A_55 = vector.shape_cast %get3A_54 : vector<1x16xf32> to vector<16xf32>
      %swap3A_56 = arith.index_cast %scan3A_37 : i32 to index
      %swap3A_57 = arith.constant 16 : index
      %swap3A_58 = tpu.vector_load %arg7[%swap3A_56, %swap3A_57] {strides = array<i32>} : memref<79x128xf32, #tpu.memory_space<vmem>>, vector<1x16xf32>,
      %swap3A_59 = vector.shape_cast %swap3A_58 : vector<1x16xf32> to vector<16xf32>
      %swap3A_60 = vector.shape_cast %get3A_55 : vector<16xf32> to vector<1x16xf32>
      tpu.vector_store %arg7[%swap3A_56, %swap3A_57], %swap3A_60 {strides = array<i32>} : memref<79x128xf32, #tpu.memory_space<vmem>>, vector<1x16xf32>,
      %mul3A_61 = arith.constant 8 : i32
      %mul3A_62 = arith.muli %scan3A_37, %mul3A_61 : i32
      %add3A_63 = arith.constant 2 : i32
      %add3A_64 = arith.addi %mul3A_62, %add3A_63 : i32
      %get3A_65 = arith.index_cast %add3A_64 : i32 to index
      %get3A_66 = arith.constant 0 : index
      %get3A_67 = tpu.vector_load %arg6[%get3A_65, %get3A_66] {strides = array<i32>} : memref<632x16xf32, #tpu.memory_space<vmem>>, vector<1x16xf32>,
      %get3A_68 = vector.shape_cast %get3A_67 : vector<1x16xf32> to vector<16xf32>
      %swap3A_69 = arith.index_cast %scan3A_37 : i32 to index
      %swap3A_70 = arith.constant 32 : index
      %swap3A_71 = tpu.vector_load %arg7[%swap3A_69, %swap3A_70] {strides = array<i32>} : memref<79x128xf32, #tpu.memory_space<vmem>>, vector<1x16xf32>,
      %swap3A_72 = vector.shape_cast %swap3A_71 : vector<1x16xf32> to vector<16xf32>
      %swap3A_73 = vector.shape_cast %get3A_68 : vector<16xf32> to vector<1x16xf32>
      tpu.vector_store %arg7[%swap3A_69, %swap3A_70], %swap3A_73 {strides = array<i32>} : memref<79x128xf32, #tpu.memory_space<vmem>>, vector<1x16xf32>,
      %mul3A_74 = arith.constant 8 : i32
      %mul3A_75 = arith.muli %scan3A_37, %mul3A_74 : i32
      %add3A_76 = arith.constant 3 : i32
      %add3A_77 = arith.addi %mul3A_75, %add3A_76 : i32
      %get3A_78 = arith.index_cast %add3A_77 : i32 to index
      %get3A_79 = arith.constant 0 : index
      %get3A_80 = tpu.vector_load %arg6[%get3A_78, %get3A_79] {strides = array<i32>} : memref<632x16xf32, #tpu.memory_space<vmem>>, vector<1x16xf32>,
      %get3A_81 = vector.shape_cast %get3A_80 : vector<1x16xf32> to vector<16xf32>
      %swap3A_82 = arith.index_cast %scan3A_37 : i32 to index
      %swap3A_83 = arith.constant 48 : index
      %swap3A_84 = tpu.vector_load %arg7[%swap3A_82, %swap3A_83] {strides = array<i32>} : memref<79x128xf32, #tpu.memory_space<vmem>>, vector<1x16xf32>,
      %swap3A_85 = vector.shape_cast %swap3A_84 : vector<1x16xf32> to vector<16xf32>
      %swap3A_86 = vector.shape_cast %get3A_81 : vector<16xf32> to vector<1x16xf32>
      tpu.vector_store %arg7[%swap3A_82, %swap3A_83], %swap3A_86 {strides = array<i32>} : memref<79x128xf32, #tpu.memory_space<vmem>>, vector<1x16xf32>,
      %mul3A_87 = arith.constant 8 : i32
      %mul3A_88 = arith.muli %scan3A_37, %mul3A_87 : i32
      %add3A_89 = arith.constant 4 : i32
      %add3A_90 = arith.addi %mul3A_88, %add3A_89 : i32
      %get3A_91 = arith.index_cast %add3A_90 : i32 to index
      %get3A_92 = arith.constant 0 : index
      %get3A_93 = tpu.vector_load %arg6[%get3A_91, %get3A_92] {strides = array<i32>} : memref<632x16xf32, #tpu.memory_space<vmem>>, vector<1x16xf32>,
      %get3A_94 = vector.shape_cast %get3A_93 : vector<1x16xf32> to vector<16xf32>
      %swap3A_95 = arith.index_cast %scan3A_37 : i32 to index
      %swap3A_96 = arith.constant 64 : index
      %swap3A_97 = tpu.vector_load %arg7[%swap3A_95, %swap3A_96] {strides = array<i32>} : memref<79x128xf32, #tpu.memory_space<vmem>>, vector<1x16xf32>,
      %swap3A_98 = vector.shape_cast %swap3A_97 : vector<1x16xf32> to vector<16xf32>
      %swap3A_99 = vector.shape_cast %get3A_94 : vector<16xf32> to vector<1x16xf32>
      tpu.vector_store %arg7[%swap3A_95, %swap3A_96], %swap3A_99 {strides = array<i32>} : memref<79x128xf32, #tpu.memory_space<vmem>>, vector<1x16xf32>,
      %mul3A_100 = arith.constant 8 : i32
      %mul3A_101 = arith.muli %scan3A_37, %mul3A_100 : i32
      %add3A_102 = arith.constant 5 : i32
      %add3A_103 = arith.addi %mul3A_101, %add3A_102 : i32
      %get3A_104 = arith.index_cast %add3A_103 : i32 to index
      %get3A_105 = arith.constant 0 : index
      %get3A_106 = tpu.vector_load %arg6[%get3A_104, %get3A_105] {strides = array<i32>} : memref<632x16xf32, #tpu.memory_space<vmem>>, vector<1x16xf32>,
      %get3A_107 = vector.shape_cast %get3A_106 : vector<1x16xf32> to vector<16xf32>
      %swap3A_108 = arith.index_cast %scan3A_37 : i32 to index
      %swap3A_109 = arith.constant 80 : index
      %swap3A_110 = tpu.vector_load %arg7[%swap3A_108, %swap3A_109] {strides = array<i32>} : memref<79x128xf32, #tpu.memory_space<vmem>>, vector<1x16xf32>,
      %swap3A_111 = vector.shape_cast %swap3A_110 : vector<1x16xf32> to vector<16xf32>
      %swap3A_112 = vector.shape_cast %get3A_107 : vector<16xf32> to vector<1x16xf32>
      tpu.vector_store %arg7[%swap3A_108, %swap3A_109], %swap3A_112 {strides = array<i32>} : memref<79x128xf32, #tpu.memory_space<vmem>>, vector<1x16xf32>,
      %mul3A_113 = arith.constant 8 : i32
      %mul3A_114 = arith.muli %scan3A_37, %mul3A_113 : i32
      %add3A_115 = arith.constant 6 : i32
      %add3A_116 = arith.addi %mul3A_114, %add3A_115 : i32
      %get3A_117 = arith.index_cast %add3A_116 : i32 to index
      %get3A_118 = arith.constant 0 : index
      %get3A_119 = tpu.vector_load %arg6[%get3A_117, %get3A_118] {strides = array<i32>} : memref<632x16xf32, #tpu.memory_space<vmem>>, vector<1x16xf32>,
      %get3A_120 = vector.shape_cast %get3A_119 : vector<1x16xf32> to vector<16xf32>
      %swap3A_121 = arith.index_cast %scan3A_37 : i32 to index
      %swap3A_122 = arith.constant 96 : index
      %swap3A_123 = tpu.vector_load %arg7[%swap3A_121, %swap3A_122] {strides = array<i32>} : memref<79x128xf32, #tpu.memory_space<vmem>>, vector<1x16xf32>,
      %swap3A_124 = vector.shape_cast %swap3A_123 : vector<1x16xf32> to vector<16xf32>
      %swap3A_125 = vector.shape_cast %get3A_120 : vector<16xf32> to vector<1x16xf32>
      tpu.vector_store %arg7[%swap3A_121, %swap3A_122], %swap3A_125 {strides = array<i32>} : memref<79x128xf32, #tpu.memory_space<vmem>>, vector<1x16xf32>,
      %mul3A_126 = arith.constant 8 : i32
      %mul3A_127 = arith.muli %scan3A_37, %mul3A_126 : i32
      %add3A_128 = arith.constant 7 : i32
      %add3A_129 = arith.addi %mul3A_127, %add3A_128 : i32
      %get3A_130 = arith.index_cast %add3A_129 : i32 to index
      %get3A_131 = arith.constant 0 : index
      %get3A_132 = tpu.vector_load %arg6[%get3A_130, %get3A_131] {strides = array<i32>} : memref<632x16xf32, #tpu.memory_space<vmem>>, vector<1x16xf32>,
      %get3A_133 = vector.shape_cast %get3A_132 : vector<1x16xf32> to vector<16xf32>
      %swap3A_134 = arith.index_cast %scan3A_37 : i32 to index
      %swap3A_135 = arith.constant 112 : index
      %swap3A_136 = tpu.vector_load %arg7[%swap3A_134, %swap3A_135] {strides = array<i32>} : memref<79x128xf32, #tpu.memory_space<vmem>>, vector<1x16xf32>,
      %swap3A_137 = vector.shape_cast %swap3A_136 : vector<1x16xf32> to vector<16xf32>
      %swap3A_138 = vector.shape_cast %get3A_133 : vector<16xf32> to vector<1x16xf32>
      tpu.vector_store %arg7[%swap3A_134, %swap3A_135], %swap3A_138 {strides = array<i32>} : memref<79x128xf32, #tpu.memory_space<vmem>>, vector<1x16xf32>,
    }
    %scan3A_34 = arith.constant 79 : i32
    %mul3A_35 = arith.constant 79 : i32
    %mul3A_36 = arith.muli %arg1, %mul3A_35 : i32
    "tpu.region"() ({
      %run_scoped3A = tpu.sem_alloc : memref<!tpu.dma_semaphore, #tpu.memory_space<semaphore_mem>>
      %dma_start3A = arith.constant 0 : i32
      %dma_start3A_37 = tpu.memref_slice %arg3[%arg0, %mul3A_36, %dma_start3A] : memref<2x1264x128xf32, #tpu.memory_space<hbm>> -> memref<1x79x128xf32, #tpu.memory_space<hbm>>
      %dma_start3A_38 = tpu.memref_squeeze %dma_start3A_37 : memref<1x79x128xf32, #tpu.memory_space<hbm>> -> memref<79x128xf32, #tpu.memory_space<hbm>>
      %dma_start3A_39 = arith.constant 0 : i32
      %dma_start3A_40 = tpu.memref_slice %arg3[%arg0, %mul3A_36, %dma_start3A_39] : memref<2x1264x128xf32, #tpu.memory_space<hbm>> -> memref<1x79x128xf32, #tpu.memory_space<hbm>>
      %dma_start3A_41 = tpu.memref_squeeze %dma_start3A_40 : memref<1x79x128xf32, #tpu.memory_space<hbm>> -> memref<79x128xf32, #tpu.memory_space<hbm>>
      tpu.enqueue_dma source(%arg7 : memref<79x128xf32, #tpu.memory_space<vmem>>) target(%dma_start3A_41 : memref<79x128xf32, #tpu.memory_space<hbm>>) target_semaphore(%run_scoped3A : memref<!tpu.dma_semaphore, #tpu.memory_space<semaphore_mem>>)
      %dma_wait3A = arith.constant 0 : i32
      %dma_wait3A_42 = tpu.memref_slice %arg3[%arg0, %mul3A_36, %dma_wait3A] : memref<2x1264x128xf32, #tpu.memory_space<hbm>> -> memref<1x79x128xf32, #tpu.memory_space<hbm>>
      %dma_wait3A_43 = tpu.memref_squeeze %dma_wait3A_42 : memref<1x79x128xf32, #tpu.memory_space<hbm>> -> memref<79x128xf32, #tpu.memory_space<hbm>>
      %dma_wait3A_44 = arith.constant 0 : i32
      %dma_wait3A_45 = tpu.memref_slice %arg3[%arg0, %mul3A_36, %dma_wait3A_44] : memref<2x1264x128xf32, #tpu.memory_space<hbm>> -> memref<1x79x128xf32, #tpu.memory_space<hbm>>
      %dma_wait3A_46 = tpu.memref_squeeze %dma_wait3A_45 : memref<1x79x128xf32, #tpu.memory_space<hbm>> -> memref<79x128xf32, #tpu.memory_space<hbm>>
      tpu.wait_dma2 semaphore(%run_scoped3A : memref<!tpu.dma_semaphore, #tpu.memory_space<semaphore_mem>>) src(%arg7 : memref<79x128xf32, #tpu.memory_space<vmem>>) dst(%dma_wait3A_46 : memref<79x128xf32, #tpu.memory_space<hbm>>)
      tpu.yield
    }) : () -> ()
    return
  }
}

</mosaic_0001>

<sc_bundles>
// kernel: _deg_pass.3.cloned.1.call-start
scs
__scs_entry_jumppad:
0x0: {  	(pc) =	sbr.rel $0x88, $3  }
0x1: {  	(tag) =	ssettag $0x0;
	lr =	simm.s32 $0x1  }
0x2: {  	[smem:$0x3FA0] =	sst lr;
	_ =	strace $0xD0000000  }
0x3: {  	_ = 	snop  }
0x4: {  	_ = 	snop  }
0x5: {  	_ = 	snop  }
0x6: {  	_ = 	snop  }
0x7: {  	_ = 	snop  }
__scs_overlays_trampoline_lowered:
0x8: {  	[smem:$0x3FAF] =	sst s0  }
0x9: {  	[smem:$0x3FB0] =	sst s1  }
0xa: {  	[smem:$0x3FB1] =	sst s2  }
0xb: {  	[smem:$0x3FB2] =	sst s3  }
0xc: {  	[smem:$0x3FB3] =	sst s4  }
0xd: {  	[smem:$0x3FB4] =	sst s5  }
0xe: {  	[smem:$0x3FB5] =	sst s6  }
0xf: {  	[smem:$0x3FB6] =	sst s7  }
0x10: {  	[smem:$0x3FB7] =	sst s8  }
0x11: {  	[smem:$0x3FB8] =	sst s9;
	s0 =	simm.s32 @!p0 $0x0  }
0x12: {  	s1 =	sld [smem:$0x3F9E];
	s0 =	simm.s32 @p0 $0x1  }
0x13: {  	[smem:$0x3FB9] =	sst s0;
	s0 =	simm.s32 @!p1 $0x0  }
0x14: {  	s2 =	sld [smem:$0x3F9D];
	s0 =	simm.s32 @p1 $0x1  }
0x15: {  	[smem:$0x3FBA] =	sst s0;
	s0 =	simm.s32 @!p2 $0x0  }
0x16: {  	s3 =	sld [smem:$0x3FDB];
	s0 =	simm.s32 @p2 $0x1  }
0x17: {  	s4 =	simm.s32 $0x1BF5;
	[smem:$0x3FBC] =	sst s0  }
0x18: {  	s0 =	sld [smem:$0x3F9F];
	_ =	swait.ge [sflag:s4], $0x0  }
0x19: {  	s7 =	sld [smem:$0x3FA0]  }
0x1a: {  	s8 =	sadd.s32 $0xFFFFE003, lr  }
0x1b: {  	s9 =	sadd.s32 $0xFFFFFEF7, lr;
	s5 =	simm.s32 $0xFFFFFFFF;
	p2 =	slt.u32 s8, $0xFFFFF086  }
0x1c: {  	p1 =	slt.u32 s9, $0xF7A;
	s5 =	simm.s32 @!p2 $0x0  }
0x1d: {  	s5 =	simm.s32 @p1 $0x1;
	p0 =	seq.s32 s7, s2  }
0x1e: {  	s7 =	smul.u32 @!p0 $0xF7A, s2;
	p2 =	seq.s32 @!p0 s5, $0x0  }
0x1f: {  	s9 =	smul.u32 $0xF7A, s1;
	s8 =	simm.s32 @!p0 $0x1BF5;
	p2 =	por !p2, p0  }
0x20: {  	[sflag:s8] =	ssyncset.s32 @!p0 $0xFFFFF086;
	s6 =	sadd.s32 @!p0 s3, s7;
	s7 =	simm.s32 @!p0 $0x108  }
0x21: {  	s3 =	sadd.s32 s3, s9;
	s6 =	sadd.s32 @!p0 $0x88, s6;
	s7 =	simm.s32 @p2 $0x1082  }
0x22: {  	[simem:s7], [sflag:s8] =	dma.local @!p0 [hbm:s6], $0xF7A  }
0x23: {  	s9 =	sor.u32 $0xD0000000, s2;
	s6 =	simm.s32 $0x108;
	_ =	swait.ge @!p0 [sflag:s8], $0x0  }
0x24: {  	s3 =	sadd.s32 $0x88, s3;
	s6 =	simm.s32 @!p1 $0x1082;
	[sflag:s4] =	ssyncset.s32 $0xFFFFF086  }
0x25: {  	[simem:s6], [sflag:s4] =	dma.local [hbm:s3], $0xF7A  }
0x26: {  	[smem:$0x3FA0] =	sst s1;
	(tag) =	ssettag s2;
	_ =	strace s9  }
0x27: {  	s1 =	sld [smem:$0x3FB0]  }
0x28: {  	s2 =	sld [smem:$0x3FB1]  }
0x29: {  	s4 =	sld [smem:$0x3FB3]  }
0x2a: {  	p0 =	seq.s32 s5, $0x0;
	s5 =	sld [smem:$0x3FB4]  }
0x2b: {  	s6 =	sld [smem:$0x3FB5]  }
0x2c: {  	s7 =	sld [smem:$0x3FB6]  }
0x2d: {  	s3 =	simm.s32 $0x108;
	s8 =	sld [smem:$0x3FB7]  }
0x2e: {  	s3 =	simm.s32 @!p0 $0x1082;
	s9 =	sld [smem:$0x3FB8]  }
0x2f: {  	lr =	sadd.s32 s0, s3;
	s0 =	sld [smem:$0x3FAF]  }
0x30: {  	s3 =	sld [smem:$0x3FB2]  }
0x31: {  	[smem:$0x3FBB] =	sst s10  }
0x32: {  	s10 =	sld [smem:$0x3FB9];
	_ =	sdelay $0x3  }
0x33: {  	p0 =	seq.s32 s10, $0x1;
	s10 =	sld [smem:$0x3FBB];
	_ =	sdelay $0x3  }
0x34: {  	[smem:$0x3FBB] =	sst s10  }
0x35: {  	s10 =	sld [smem:$0x3FBA];
	_ =	sdelay $0x3  }
0x36: {  	p1 =	seq.s32 s10, $0x1;
	s10 =	sld [smem:$0x3FBB];
	_ =	sdelay $0x3  }
0x37: {  	[smem:$0x3FBB] =	sst s10  }
0x38: {  	s10 =	sld [smem:$0x3FBC]  }
0x39: {  	_ = 	snop;
	(pc) =	sbr.ind lr, $3  }
0x3a: {  	_ = 	snop  }
0x3b: {  	_ = 	snop  }
0x3c: {  	p2 =	seq.s32 s10, $0x1;
	s10 =	sld [smem:$0x3FBB]  }
0x3d: {  	_ =	shalt  }
0x3e: {  	_ =	shalt  }
0x3f: {  	_ =	shalt  }
0x40: {  	_ =	shalt  }
0x41: {  	_ =	shalt  }
0x42: {  	_ =	shalt  }
0x43: {  	_ =	shalt  }
0x44: {  	_ =	shalt  }
0x45: {  	_ =	shalt  }
0x46: {  	_ =	shalt  }
0x47: {  	_ =	shalt  }
0x48: {  	_ =	shalt  }
0x49: {  	_ =	shalt  }
0x4a: {  	_ =	shalt  }
0x4b: {  	_ =	shalt  }
0x4c: {  	_ =	shalt  }
0x4d: {  	_ =	shalt  }
0x4e: {  	_ =	shalt  }
0x4f: {  	_ =	shalt  }
0x50: {  	_ =	shalt  }
0x51: {  	_ =	shalt  }
0x52: {  	_ =	shalt  }
0x53: {  	_ =	shalt  }
0x54: {  	_ =	shalt  }
0x55: {  	_ =	shalt  }
0x56: {  	_ =	shalt  }
0x57: {  	_ =	shalt  }
0x58: {  	_ =	shalt  }
0x59: {  	_ =	shalt  }
0x5a: {  	_ =	shalt  }
0x5b: {  	_ =	shalt  }
0x5c: {  	_ =	shalt  }
0x5d: {  	_ =	shalt  }
0x5e: {  	_ =	shalt  }
0x5f: {  	_ =	shalt  }
0x60: {  	_ =	shalt  }
0x61: {  	_ =	shalt  }
0x62: {  	_ =	shalt  }
0x63: {  	_ =	shalt  }
0x64: {  	_ =	shalt  }
0x65: {  	_ =	shalt  }
0x66: {  	_ =	shalt  }
0x67: {  	_ =	shalt  }
0x68: {  	_ =	shalt  }
0x69: {  	_ =	shalt  }
0x6a: {  	_ =	shalt  }
0x6b: {  	_ =	shalt  }
0x6c: {  	_ =	shalt  }
0x6d: {  	_ =	shalt  }
0x6e: {  	_ =	shalt  }
0x6f: {  	_ =	shalt  }
0x70: {  	_ =	shalt  }
0x71: {  	_ =	shalt  }
0x72: {  	_ =	shalt  }
0x73: {  	_ =	shalt  }
0x74: {  	_ =	shalt  }
0x75: {  	_ =	shalt  }
0x76: {  	_ =	shalt  }
0x77: {  	_ =	shalt  }
0x78: {  	_ =	shalt  }
0x79: {  	_ =	shalt  }
0x7a: {  	_ =	shalt  }
0x7b: {  	_ =	shalt  }
0x7c: {  	_ =	shalt  }
0x7d: {  	_ =	shalt  }
0x7e: {  	_ =	shalt  }
0x7f: {  	_ =	shalt  }
0x80: {  	_ =	shalt  }
0x81: {  	_ =	shalt  }
0x82: {  	_ =	shalt  }
0x83: {  	_ =	shalt  }
0x84: {  	_ =	shalt  }
0x85: {  	_ =	shalt  }
0x86: {  	_ =	shalt  }
0x87: {  	_ =	shalt  }
.Lfunc_end0:
.L_simem_size_0:
called_computation_lowered:
.L_overlay_start_0:
0x88: {  	s2 =	sld [smem:$0x3FD9]  }
0x89: {  	s3 =	sld [smem:$0x3FFE];
	_ =	sdelay $0x1  }
0x8a: {  	s1 =	srdreg.scid  }
0x8b: {  	s0 =	sand.u32 $0x1, s1  }
0x8c: {  	s17 =	sshll.u32 s0, $0xA;
	s2 =	sadd.s32 s3, s2  }
0x8d: {  	s2 =	sadd.s32 s2, s17  }
0x8e: {  	[smem:$0x3FC7] =	sst s2  }
0x8f: {  	_ = 	snop  }
0x90: {  	s2 =	sld [smem:$0x3FD0];
	(tm) =	ssettm $0x1  }
0x91: {  	s18 =	sld [smem:$0x3FFB];
	_ =	sdelay $0x3  }
0x92: {  	_ =	strace s18  }
0x93: {  	s3 =	sld [smem:$0x3FFC];
	_ =	sdelay $0x3  }
0x94: {  	_ =	strace s3  }
0x95: {  	s3 =	sld [smem:$0x3FFD];
	_ =	sdelay $0x3  }
0x96: {  	_ =	strace s3  }
0x97: {  	_ =	strace $0x8FFFFFFF  }
0x98: {  	s19 =	sld [smem:$0x3FDB];
	_ =	sdelay $0x1  }
0x99: {  	s4 =	simm.s32 $_scs_section_size  }
0x9a: {  	s5 =	simm.s32 $_size__tile_overlayer_lowered;
	s6 =	simm.s32 $_tile_overlayer_lowered  }
0x9b: {  	s22 =	simm.s32 $0x1BFF;
	s21 =	sshll.u32 s6, $0x1;
	s3 =	sadd.s32 s4, s19  }
0x9c: {  	s7 =	simm.s32 $0x0;
	s20 =	sshll.u32 s5, $0x1;
	s5 =	sadd.s32 s21, s3  }
0x9d: {  	[timem:s7], [sflag:s22] =	dma.local [hbm:s5], s20  }
0x9e: {  	_ =	swait.ge [sflag:s22], s20  }
0x9f: {  	s4 =	ssub.s32 $0x0, s20;
	[sflag:s22] =	ssyncset.done $0x0  }
0xa0: {  	[sflag:s22] =	ssyncadd.s32 s4;
	_ =	sdelay $0x1  }
0xa1: {  	s23 =	simm.s32 $0x1B8B  }
0xa2: {  	_ =	swait.ge [sflag:s23], $0x1  }
0xa3: {  	[sflag:s23] =	ssyncset.done $0x0  }
0xa4: {  	s25 =	simm.s32 $0x1B8E;
	s24 =	sld [smem:$0x3FFE];
	[sflag:s23] =	ssyncadd.s32 $0xFFFFFFFF  }
0xa5: {  	s26 =	simm.s32 $execute0_lowered;
	[smem:$0x3FD2] =	sst s25  }
0xa6: {  	s5 =	sshll.u32 s26, $0x1;
	_ =	strace $0x80000046;
	[dreg:$0x1] =	wrdreg $0xFFFFFFFF  }
0xa7: {  	s28 =	simm.s32 $_size_execute0_lowered;
	s3 =	sadd.s32 s3, s5;
	[dreg:$0x0] =	wrdreg $0x0  }
0xa8: {  	s5 =	sshll.u32 s28, $0x1;
	[dreg:$0x2] =	wrdreg s3  }
0xa9: {  	[dreg:$0x3] =	wrdreg s5  }
0xaa: {  	[dreg:$0x4] =	wrdreg $0xC0  }
0xab: {  	_ =	task [dreg:s7], $0x5FFFF  }
0xac: {  	[dreg:$0x1] =	wrdreg $0xFFFFFFFF  }
0xad: {  	[dreg:$0x0] =	wrdreg $0x60  }
0xae: {  	[dreg:$0x2] =	wrdreg s24  }
0xaf: {  	[dreg:$0x3] =	wrdreg s2  }
0xb0: {  	[dreg:$0x4] =	wrdreg $0x7F000  }
0xb1: {  	[dreg:$0x5] =	wrdreg $0x9  }
0xb2: {  	_ =	task.clear_ibuf [dreg:s7], $0x6FFFF;
	_ =	strace $0x90000046  }
0xb3: {  	s29 =	simm.s32 $0x9;
	_ =	strace $0x80000048  }
0xb4: {  	_ =	swait.ge [sflag:s29], $0x1  }
0xb5: {  	[sflag:s29] =	ssyncadd.s32 $0xFFFFFFFF  }
0xb6: {  	_ =	strace $0x90000048  }
0xb7: {  	_ =	sfence  }
0xb8: {  	s30 =	sld [smem:$0x0];
	_ =	sdelay $0x2  }
0xb9: {  	s31 =	sshll.u32 s1, $0xD;
	s1 =	sshrl.u32 s1, $0x2  }
0xba: {  	s3 =	sand.u32 $0x4000, s31;
	s1 =	sadd.s32 s1, s30  }
0xbb: {  	s0 =	sor.u32 s3, s0;
	s1 =	sshll.u32 s1, $0x11  }
0xbc: {  	s0 =	sor.u32 s1, s0  }
0xbd: {  	s0 =	sadd.s32 $0x8F2B, s0  }
0xbe: {  	[sflag:s0] =	ssyncadd.remote.s32 $0x1  }
0xbf: {  	_ =	sfence.sel $0xFFFF  }
0xc0: {  	[dreg:$0x0] =	wrdreg $0xFFFFFFFF;
	(pc) =	sbr.abs _section_cstart, $3  }
0xc1: {  	[dreg:$0x1] =	wrdreg $0xFFFFFFFF  }
0xc2: {  	_ =	task.clear_ibuf [dreg:s7], $0x2FFFF;
	_ =	strace $0x9FFFFFFF  }
0xc3: {  	(tm) =	ssettm $0x7FFFFFFF  }
tec
execute0_lowered:
.L_overlay_start_1:
0x0: {  	(tag) =	ssettag $0x1  }
0x1: {  	s7 =	rddreg [dreg:$0x0]  }
0x2: {  	s8 =	rddreg [dreg:$0x1]  }
0x3: {  	s2 =	rddreg [dreg:$0x2]  }
0x4: {  	s0 =	rddreg [dreg:$0x3]  }
0x5: {  	s4 =	srdreg.scid;
	s1 =	stileid.u32  }
0x6: {  	s3 =	simm.s32 $0x0;
	s14 =	simm.s32 $0x1;
	s26 =	smul.u32 $0x9E00, s1  }
0x7: {  	s15 =	simm.s32 $0x5780;
	s16 =	simm.s32 $0x0;
	s6 =	smul.u32 $0x2800, s1  }
0x8: {  	s10 =	sand.u32 $0x1, s4;
	[smem:$0x7FF] =	sst s3;
	s11 =	smul.u32 $0x2600, s1  }
0x9: {  	s12 =	sadd.s32 $0x400, s7;
	s29 =	smul.u32 $0x2780, s1;
	s7 =	sadd.s32 $0x13C40, s7  }
0xa: {  	p2 =	sne.s32 s1, $0xF;
	s5 =	ssub.s32 $0x2, s10;
	_ =	strace $0x80000047  }
0xb: {  	s13 =	smul.u32 $0x27800, s10;
	p0 =	seq.s32 s10, $0x1;
	p1 =	sne.s32 s10, $0x0  }
0xc: {  	s10 =	simm.s32 $0x3000;
	s9 =	sshrl.u32 s5, $0x1;
	s4 =	sshrl.u32 s26, $0x2  }
0xd: {  	s28 =	sshrl.u32 s6, $0x3;
	s11 =	sshrl.u32 s11, $0x3;
	s9 =	ssub.s32 s5, s9  }
0xe: {  	s4 =	sadd.s32 s4, s2;
	s5 =	sadd.s32 s12, s28;
	s11 =	sadd.s32 s12, s11  }
0xf: {  	s30 =	sadd.s32 s29, s13;
	s12 =	simm.s32 $0x80;
	s13 =	simm.s32 $0x2800  }
0x10: {  	s5 =	sadd.s32 $0x9C40, s5;
	s6 =	sadd.s32 $0xEC40, s11;
	s31 =	sshrl.u32 s30, $0x3  }
0x11: {  	v0 =	vimm.f32 $0.0e+00;
	v1 =	vimm.f32 $1.000000000e+00;
	s9 =	smax.u32 s9, $0x1;
	s11 =	simm.s32 $0x2;
	s8 =	sadd.s32 s8, s31  }
.LBB2_1:
0x12: {  	s17 =	simm.s32 $0x0  }
.LBB2_2:
0x13: {  	p3 =	sne.s32 s17, $0x9DC0  }
.Ltmp0:
0x14: {  	_ = 	snop;
	(pc) =	sbr.rel @p3 .LBB2_2-.Ltmp0, $3  }
0x15: {  	_ =	sdelay $0x1  }
0x16: {  	s18 =	sshra.s32 s17, $0x2  }
0x17: {  	s17 =	sadd.s32 $0x40, s17;
	[tilespmem:s18+$0x3000] =	vst v0  }
0x18: {  	s17 =	simm.s32 $0x40;
	s18 =	simm.s32 $0x0  }
.LBB2_4:
0x19: {  	p3 =	sne.s32 s17, $0x1FC0;
	[tilespmem:s18+$0x2800] =	vst v1;
	s18 =	smov.u32 s17;
	s17 =	sadd.s32 $0x40, s17  }
.Ltmp1:
0x1a: {  	(pc) =	sbr.rel @p3 .LBB2_4-.Ltmp1, $2  }
0x1b: {  	_ =	sdelay $0x2  }
0x1c: {  	s18 =	sshra.s32 s18, $0x2  }
0x1d: {  	[tilespmem:s18+$0x2800] =	vst v1  }
0x1e: {  	[spmem:s4] =	stream.linear.scatter [tilespmem:s10], [sflag:$0x2], $0x2780, $0x38;
	[tilespmem:$0xA680] =	vst v63  }
.Ltmp2:
0x1f: {  	_ =	swait.ge [sflag:s11], $0x2780;
	(pc) =	sbr.rel @p1 .LBB2_9-.Ltmp2, $3  }
0x20: {  	[sflag:s11] =	ssyncset.done $0x0  }
0x21: {  	[sflag:s11] =	ssyncadd.s32 $0xFFFFD880  }
0x22: {  	[bflag:$0x0] =	sbarrier.arrive $0xFFFF;
	_ =	sdelay $0x1  }
0x23: {  	s17 =	simm.s32 $0x0  }
0x24: {  	[tilespmem:s17], [sflag:$0x2] =	stream.linear.gather [hbm4b:s5+s17], $0x2800, $0x38;
	[tilespmem:$0xA680] =	vst v63  }
0x25: {  	_ =	swait.ge [sflag:s11], $0x2800  }
0x26: {  	[sflag:s11] =	ssyncset.done $0x0  }
0x27: {  	s28 =	simm.s32 $0x0;
	[sflag:s11] =	ssyncadd.s32 $0xFFFFD800  }
0x28: {  	[spmem:s2] =	stream.indirect.scatter.add.f32 [tilespmem:s13], [sflag:$0x1], $0x10, s28, s12, $0xb8;
	[tilespmem:$0xA680] =	vst v63  }
0x29: {  	s29 =	simm.s32 $0x80  }
0x2a: {  	[spmem:s2] =	stream.indirect.scatter.add.f32 [tilespmem:s13], [sflag:$0x1], $0x10, s29, s12, $0xb8;
	[tilespmem:$0xA680] =	vst v63  }
0x2b: {  	s30 =	simm.s32 $0x100  }
0x2c: {  	[spmem:s2] =	stream.indirect.scatter.add.f32 [tilespmem:s13], [sflag:$0x1], $0x10, s30, s12, $0xb8;
	[tilespmem:$0xA680] =	vst v63  }
0x2d: {  	s31 =	simm.s32 $0x180  }
0x2e: {  	[spmem:s2] =	stream.indirect.scatter.add.f32 [tilespmem:s13], [sflag:$0x1], $0x10, s31, s12, $0xb8;
	[tilespmem:$0xA680] =	vst v63  }
0x2f: {  	_ =	swait.ge [sflag:s14], $0x800  }
0x30: {  	[sflag:s14] =	ssyncset.done $0x0  }
0x31: {  	[sflag:s14] =	ssyncadd.s32 $0xFFFFF800  }
0x32: {  	_ =	swait.ge [sflag:s14], $0x800  }
0x33: {  	[sflag:s14] =	ssyncset.done $0x0  }
0x34: {  	[sflag:s14] =	ssyncadd.s32 $0xFFFFF800  }
0x35: {  	_ =	swait.ge [sflag:s14], $0x800  }
0x36: {  	[sflag:s14] =	ssyncset.done $0x0  }
0x37: {  	[sflag:s14] =	ssyncadd.s32 $0xFFFFF800  }
0x38: {  	_ =	swait.ge [sflag:s14], $0x800  }
0x39: {  	s18 =	simm.s32 $0x1000;
	s17 =	simm.s32 $0x800;
	[sflag:s14] =	ssyncset.done $0x0  }
.LBB2_7:
0x3a: {  	s19 =	sshra.s32 s17, $0x2  }
0x3b: {  	[sflag:s14] =	ssyncadd.s32 $0xFFFFF800;
	s17 =	smov.u32 s18;
	s20 =	sadd.s32 $0x800, s18  }
0x3c: {  	[spmem:s2] =	stream.indirect.scatter.add.f32 [tilespmem:s13], [sflag:$0x1], $0x10, s19, s12, $0xb8;
	[tilespmem:$0xA680] =	vst v63  }
0x3d: {  	p3 =	sne.s32 s18, $0x9800;
	s18 =	sadd.s32 $0x80, s19  }
0x3e: {  	[spmem:s2] =	stream.indirect.scatter.add.f32 [tilespmem:s13], [sflag:$0x1], $0x10, s18, s12, $0xb8;
	[tilespmem:$0xA680] =	vst v63  }
0x3f: {  	s18 =	sadd.s32 $0x100, s19  }
0x40: {  	[spmem:s2] =	stream.indirect.scatter.add.f32 [tilespmem:s13], [sflag:$0x1], $0x10, s18, s12, $0xb8;
	[tilespmem:$0xA680] =	vst v63  }
0x41: {  	s18 =	sadd.s32 $0x180, s19  }
0x42: {  	[spmem:s2] =	stream.indirect.scatter.add.f32 [tilespmem:s13], [sflag:$0x1], $0x10, s18, s12, $0xb8;
	[tilespmem:$0xA680] =	vst v63  }
0x43: {  	_ =	swait.ge [sflag:s14], $0x800  }
0x44: {  	[sflag:s14] =	ssyncset.done $0x0  }
0x45: {  	[sflag:s14] =	ssyncadd.s32 $0xFFFFF800  }
0x46: {  	_ =	swait.ge [sflag:s14], $0x800  }
0x47: {  	[sflag:s14] =	ssyncset.done $0x0  }
0x48: {  	[sflag:s14] =	ssyncadd.s32 $0xFFFFF800  }
.Ltmp3:
0x49: {  	_ =	swait.ge [sflag:s14], $0x800;
	(pc) =	sbr.rel @p3 .LBB2_7-.Ltmp3, $4  }
0x4a: {  	[sflag:s14] =	ssyncset.done $0x0  }
0x4b: {  	[sflag:s14] =	ssyncadd.s32 $0xFFFFF800  }
0x4c: {  	_ =	swait.ge [sflag:s14], $0x800  }
0x4d: {  	s18 =	smov.u32 s20;
	[sflag:s14] =	ssyncset.done $0x0  }
0x4e: {  	s17 =	sshra.s32 s17, $0x2;
	[sflag:s14] =	ssyncadd.s32 $0xFFFFF800  }
0x4f: {  	[spmem:s2] =	stream.indirect.scatter.add.f32 [tilespmem:s13], [sflag:$0x1], $0x10, s17, s12, $0xb8;
	[tilespmem:$0xA680] =	vst v63  }
0x50: {  	s18 =	sadd.s32 $0x80, s17  }
0x51: {  	[spmem:s2] =	stream.indirect.scatter.add.f32 [tilespmem:s13], [sflag:$0x1], $0x10, s18, s12, $0xb8;
	[tilespmem:$0xA680] =	vst v63  }
0x52: {  	s31 =	sadd.s32 $0x100, s17  }
0x53: {  	[spmem:s2] =	stream.indirect.scatter.add.f32 [tilespmem:s13], [sflag:$0x1], $0x10, s31, s12, $0xb8;
	[tilespmem:$0xA680] =	vst v63  }
0x54: {  	s17 =	sadd.s32 $0x180, s17  }
0x55: {  	[spmem:s2] =	stream.indirect.scatter.add.f32 [tilespmem:s13], [sflag:$0x1], $0x10, s17, s12, $0xb8;
	[tilespmem:$0xA680] =	vst v63  }
0x56: {  	_ =	swait.ge [sflag:s14], $0x800  }
0x57: {  	[sflag:s14] =	ssyncset.done $0x0  }
0x58: {  	[sflag:s14] =	ssyncadd.s32 $0xFFFFF800  }
0x59: {  	_ =	swait.ge [sflag:s14], $0x800  }
0x5a: {  	[sflag:s14] =	ssyncset.done $0x0  }
0x5b: {  	[sflag:s14] =	ssyncadd.s32 $0xFFFFF800  }
0x5c: {  	_ =	swait.ge [sflag:s14], $0x800  }
0x5d: {  	[sflag:s14] =	ssyncset.done $0x0  }
0x5e: {  	[sflag:s14] =	ssyncadd.s32 $0xFFFFF800  }
0x5f: {  	_ =	swait.ge [sflag:s14], $0x800  }
0x60: {  	[sflag:s14] =	ssyncset.done $0x0  }
0x61: {  	[sflag:s14] =	ssyncadd.s32 $0xFFFFF800  }
.LBB2_9:
.Ltmp4:
0x62: {  	(pc) =	sbr.rel @!p0 .LBB2_13-.Ltmp4, $1  }
0x63: {  	_ =	sdelay $0x3  }
0x64: {  	s17 =	simm.s32 $0x0  }
0x65: {  	[tilespmem:s17], [sflag:$0x2] =	stream.linear.gather [hbm4b:s6+s17], $0x2600, $0x38;
	[tilespmem:$0xA680] =	vst v63  }
0x66: {  	_ =	swait.ge [sflag:s11], $0x2600  }
0x67: {  	[sflag:s11] =	ssyncset.done $0x0  }
0x68: {  	s28 =	simm.s32 $0x0;
	[sflag:s11] =	ssyncadd.s32 $0xFFFFDA00  }
0x69: {  	[spmem:s2] =	stream.indirect.scatter.add.f32 [tilespmem:s13], [sflag:$0x1], $0x10, s28, s12, $0xb8;
	[tilespmem:$0xA680] =	vst v63  }
0x6a: {  	s29 =	simm.s32 $0x80  }
0x6b: {  	[spmem:s2] =	stream.indirect.scatter.add.f32 [tilespmem:s13], [sflag:$0x1], $0x10, s29, s12, $0xb8;
	[tilespmem:$0xA680] =	vst v63  }
0x6c: {  	s30 =	simm.s32 $0x100  }
0x6d: {  	[spmem:s2] =	stream.indirect.scatter.add.f32 [tilespmem:s13], [sflag:$0x1], $0x10, s30, s12, $0xb8;
	[tilespmem:$0xA680] =	vst v63  }
0x6e: {  	s31 =	simm.s32 $0x180  }
0x6f: {  	[spmem:s2] =	stream.indirect.scatter.add.f32 [tilespmem:s13], [sflag:$0x1], $0x10, s31, s12, $0xb8;
	[tilespmem:$0xA680] =	vst v63  }
0x70: {  	_ =	swait.ge [sflag:s14], $0x800  }
0x71: {  	[sflag:s14] =	ssyncset.done $0x0  }
0x72: {  	[sflag:s14] =	ssyncadd.s32 $0xFFFFF800  }
0x73: {  	_ =	swait.ge [sflag:s14], $0x800  }
0x74: {  	[sflag:s14] =	ssyncset.done $0x0  }
0x75: {  	[sflag:s14] =	ssyncadd.s32 $0xFFFFF800  }
0x76: {  	_ =	swait.ge [sflag:s14], $0x800  }
0x77: {  	[sflag:s14] =	ssyncset.done $0x0  }
0x78: {  	[sflag:s14] =	ssyncadd.s32 $0xFFFFF800  }
0x79: {  	_ =	swait.ge [sflag:s14], $0x800  }
0x7a: {  	s18 =	simm.s32 $0x1000;
	s17 =	simm.s32 $0x800;
	[sflag:s14] =	ssyncset.done $0x0  }
.LBB2_11:
0x7b: {  	s19 =	sshra.s32 s17, $0x2  }
0x7c: {  	[sflag:s14] =	ssyncadd.s32 $0xFFFFF800;
	s17 =	smov.u32 s18;
	s20 =	sadd.s32 $0x800, s18  }
0x7d: {  	[spmem:s2] =	stream.indirect.scatter.add.f32 [tilespmem:s13], [sflag:$0x1], $0x10, s19, s12, $0xb8;
	[tilespmem:$0xA680] =	vst v63  }
0x7e: {  	p3 =	sne.s32 s18, $0x9000;
	s18 =	sadd.s32 $0x80, s19  }
0x7f: {  	[spmem:s2] =	stream.indirect.scatter.add.f32 [tilespmem:s13], [sflag:$0x1], $0x10, s18, s12, $0xb8;
	[tilespmem:$0xA680] =	vst v63  }
0x80: {  	s18 =	sadd.s32 $0x100, s19  }
0x81: {  	[spmem:s2] =	stream.indirect.scatter.add.f32 [tilespmem:s13], [sflag:$0x1], $0x10, s18, s12, $0xb8;
	[tilespmem:$0xA680] =	vst v63  }
0x82: {  	s18 =	sadd.s32 $0x180, s19  }
0x83: {  	[spmem:s2] =	stream.indirect.scatter.add.f32 [tilespmem:s13], [sflag:$0x1], $0x10, s18, s12, $0xb8;
	[tilespmem:$0xA680] =	vst v63  }
0x84: {  	_ =	swait.ge [sflag:s14], $0x800  }
0x85: {  	[sflag:s14] =	ssyncset.done $0x0  }
0x86: {  	[sflag:s14] =	ssyncadd.s32 $0xFFFFF800  }
0x87: {  	_ =	swait.ge [sflag:s14], $0x800  }
0x88: {  	[sflag:s14] =	ssyncset.done $0x0  }
0x89: {  	[sflag:s14] =	ssyncadd.s32 $0xFFFFF800  }
.Ltmp5:
0x8a: {  	_ =	swait.ge [sflag:s14], $0x800;
	(pc) =	sbr.rel @p3 .LBB2_11-.Ltmp5, $4  }
0x8b: {  	[sflag:s14] =	ssyncset.done $0x0  }
0x8c: {  	[sflag:s14] =	ssyncadd.s32 $0xFFFFF800  }
0x8d: {  	_ =	swait.ge [sflag:s14], $0x800  }
0x8e: {  	s18 =	smov.u32 s20;
	[sflag:s14] =	ssyncset.done $0x0  }
0x8f: {  	s17 =	sshra.s32 s17, $0x2;
	[sflag:s14] =	ssyncadd.s32 $0xFFFFF800  }
0x90: {  	[spmem:s2] =	stream.indirect.scatter.add.f32 [tilespmem:s13], [sflag:$0x1], $0x10, s17, s12, $0xb8;
	[tilespmem:$0xA680] =	vst v63  }
0x91: {  	s18 =	sadd.s32 $0x80, s17  }
0x92: {  	[spmem:s2] =	stream.indirect.scatter.add.f32 [tilespmem:s13], [sflag:$0x1], $0x10, s18, s12, $0xb8;
	[tilespmem:$0xA680] =	vst v63  }
0x93: {  	s31 =	sadd.s32 $0x100, s17  }
0x94: {  	[spmem:s2] =	stream.indirect.scatter.add.f32 [tilespmem:s13], [sflag:$0x1], $0x10, s31, s12, $0xb8;
	[tilespmem:$0xA680] =	vst v63  }
0x95: {  	s17 =	sadd.s32 $0x180, s17  }
0x96: {  	[spmem:s2] =	stream.indirect.scatter.add.f32 [tilespmem:s13], [sflag:$0x1], $0x10, s17, s12, $0xb8;
	[tilespmem:$0xA680] =	vst v63  }
0x97: {  	_ =	swait.ge [sflag:s14], $0x800  }
0x98: {  	[sflag:s14] =	ssyncset.done $0x0  }
0x99: {  	[sflag:s14] =	ssyncadd.s32 $0xFFFFF800  }
0x9a: {  	_ =	swait.ge [sflag:s14], $0x800  }
0x9b: {  	[sflag:s14] =	ssyncset.done $0x0  }
0x9c: {  	[sflag:s14] =	ssyncadd.s32 $0xFFFFF800  }
0x9d: {  	_ =	swait.ge [sflag:s14], $0x800  }
0x9e: {  	[sflag:s14] =	ssyncset.done $0x0  }
0x9f: {  	[sflag:s14] =	ssyncadd.s32 $0xFFFFF800  }
0xa0: {  	_ =	swait.ge [sflag:s14], $0x800  }
0xa1: {  	[sflag:s14] =	ssyncset.done $0x0  }
0xa2: {  	s18 =	simm.s32 @!p2 $0x2;
	s17 =	simm.s32 @!p2 $0x0;
	[sflag:s14] =	ssyncadd.s32 $0xFFFFF800  }
0xa3: {  	[tilespmem:s17], [sflag:$0x2] =	stream.linear.gather @!p2 [hbm4b:s7+s17], $0x200, $0x38;
	[tilespmem:$0xA680] =	vst v63  }
0xa4: {  	_ =	swait.ge @!p2 [sflag:s18], $0x200  }
0xa5: {  	[sflag:s18] =	ssyncset.done @!p2 $0x0  }
0xa6: {  	s19 =	simm.s32 @!p2 $0x2800;
	[sflag:s18] =	ssyncadd.s32 @!p2 $0xFFFFFE00;
	s18 =	simm.s32 @!p2 $0x80  }
0xa7: {  	[spmem:s2] =	stream.indirect.scatter.add.f32 @!p2 [tilespmem:s19], [sflag:$0x1], $0x10, s17, s18, $0xb8;
	[tilespmem:$0xA680] =	vst v63  }
0xa8: {  	_ = 	snop  }
0xa9: {  	[spmem:s2] =	stream.indirect.scatter.add.f32 @!p2 [tilespmem:s19], [sflag:$0x1], $0x10, s18, s18, $0xb8;
	[tilespmem:$0xA680] =	vst v63  }
0xaa: {  	s17 =	simm.s32 @!p2 $0x100  }
0xab: {  	[spmem:s2] =	stream.indirect.scatter.add.f32 @!p2 [tilespmem:s19], [sflag:$0x1], $0x10, s17, s18, $0xb8;
	[tilespmem:$0xA680] =	vst v63  }
0xac: {  	s17 =	simm.s32 @!p2 $0x180  }
0xad: {  	[spmem:s2] =	stream.indirect.scatter.add.f32 @!p2 [tilespmem:s19], [sflag:$0x1], $0x10, s17, s18, $0xb8;
	[tilespmem:$0xA680] =	vst v63  }
0xae: {  	s17 =	simm.s32 @!p2 $0x1  }
0xaf: {  	_ =	swait.ge @!p2 [sflag:s17], $0x800  }
0xb0: {  	[sflag:s17] =	ssyncset.done @!p2 $0x0  }
0xb1: {  	[sflag:s17] =	ssyncadd.s32 @!p2 $0xFFFFF800  }
0xb2: {  	_ =	swait.ge @!p2 [sflag:s17], $0x800  }
0xb3: {  	[sflag:s17] =	ssyncset.done @!p2 $0x0  }
0xb4: {  	[sflag:s17] =	ssyncadd.s32 @!p2 $0xFFFFF800  }
0xb5: {  	_ =	swait.ge @!p2 [sflag:s17], $0x800  }
0xb6: {  	[sflag:s17] =	ssyncset.done @!p2 $0x0  }
0xb7: {  	[sflag:s17] =	ssyncadd.s32 @!p2 $0xFFFFF800  }
0xb8: {  	_ =	swait.ge @!p2 [sflag:s17], $0x800  }
0xb9: {  	[sflag:s17] =	ssyncset.done @!p2 $0x0  }
0xba: {  	[sflag:s17] =	ssyncadd.s32 @!p2 $0xFFFFF800  }
.LBB2_13:
0xbb: {  	[bflag:$0x0] =	sbarrier.arrive $0xFFFF  }
0xbc: {  	[tilespmem:s10], [sflag:$0x2] =	stream.linear.gather [spmem:s4], $0x2780, $0x38;
	[tilespmem:$0xA680] =	vst v63  }
0xbd: {  	_ =	swait.ge [sflag:s11], $0x2780  }
0xbe: {  	[sflag:s11] =	ssyncset.done $0x0  }
0xbf: {  	s17 =	simm.s32 $0x0;
	[sflag:s11] =	ssyncadd.s32 $0xFFFFD880  }
0xc0: {  	v5 =	vld [tilespmem:s17+$0x3070]  }
0xc1: {  	v6 =	vld [tilespmem:s17+$0x3000]  }
0xc2: {  	v7 =	vld [tilespmem:s17+$0x3010]  }
0xc3: {  	v4 =	vld [tilespmem:s17+$0x3020]  }
0xc4: {  	v2 =	vld [tilespmem:s17+$0x3030]  }
0xc5: {  	v3 =	vld [tilespmem:s17+$0x3040];
	[tilespmem:s17+$0x57F0] =	vst v5  }
0xc6: {  	[tilespmem:s17+$0x5780] =	vst v6;
	v5 =	vld [tilespmem:s17+$0x3050]  }
0xc7: {  	s18 =	simm.s32 $0x80;
	s19 =	simm.s32 $0x400;
	[tilespmem:s17+$0x5790] =	vst v7;
	v6 =	vld [tilespmem:s17+$0x3060]  }
.LBB2_14:
0xc8: {  	p3 =	sne.s32 s19, $0x9C00;
	v7 =	vld [tilespmem:s18+$0x3070];
	[tilespmem:s17+$0x57A0] =	vst v4  }
0xc9: {  	v8 =	vld [tilespmem:s18+$0x3000];
	[tilespmem:s17+$0x57B0] =	vst v2  }
0xca: {  	v9 =	vld [tilespmem:s18+$0x3010];
	[tilespmem:s17+$0x57C0] =	vst v3  }
.Ltmp6:
0xcb: {  	v4 =	vld [tilespmem:s18+$0x3020];
	[tilespmem:s17+$0x57D0] =	vst v5;
	(pc) =	sbr.rel @p3 .LBB2_14-.Ltmp6, $4  }
0xcc: {  	v2 =	vld [tilespmem:s18+$0x3030];
	[tilespmem:s17+$0x57E0] =	vst v6;
	s17 =	smov.u32 s18  }
0xcd: {  	v3 =	vld [tilespmem:s17+$0x3040];
	[tilespmem:s17+$0x57F0] =	vst v7  }
0xce: {  	[tilespmem:s17+$0x5780] =	vst v8;
	v5 =	vld [tilespmem:s17+$0x3050]  }
0xcf: {  	s18 =	sshra.s32 s19, $0x2;
	s19 =	sadd.s32 $0x200, s19;
	[tilespmem:s17+$0x5790] =	vst v9;
	v6 =	vld [tilespmem:s17+$0x3060]  }
0xd0: {  	v7 =	vld [tilespmem:s18+$0x3070];
	[tilespmem:s17+$0x57A0] =	vst v4  }
0xd1: {  	v4 =	vld [tilespmem:s18+$0x3000];
	[tilespmem:s17+$0x57B0] =	vst v2  }
0xd2: {  	v2 =	vld [tilespmem:s18+$0x3010];
	[tilespmem:s17+$0x57C0] =	vst v3  }
0xd3: {  	v3 =	vld [tilespmem:s18+$0x3020];
	[tilespmem:s17+$0x57D0] =	vst v5  }
0xd4: {  	v5 =	vld [tilespmem:s18+$0x3030];
	[tilespmem:s17+$0x57E0] =	vst v6  }
0xd5: {  	v6 =	vld [tilespmem:s18+$0x3040];
	[tilespmem:s18+$0x57F0] =	vst v7  }
0xd6: {  	v63 =	vld [tilespmem:s18+$0x3050];
	[tilespmem:s18+$0x5780] =	vst v4  }
0xd7: {  	[tilespmem:s18+$0x5790] =	vst v2;
	v2 =	vld [tilespmem:s18+$0x3060]  }
0xd8: {  	[tilespmem:s18+$0x57A0] =	vst v3  }
0xd9: {  	[tilespmem:s18+$0x57B0] =	vst v5  }
0xda: {  	s16 =	sadd.s32 $0x1, s16;
	[tilespmem:s18+$0x57C0] =	vst v6  }
0xdb: {  	p3 =	sne.s32 s16, s9;
	[tilespmem:s18+$0x57D0] =	vst v63  }
.Ltmp7:
0xdc: {  	[tilespmem:s18+$0x57E0] =	vst v2;
	(pc) =	sbr.rel @p3 .LBB2_1-.Ltmp7, $4  }
0xdd: {  	[hbm4b:s8+s3] =	stream.linear.scatter [tilespmem:s15], [sflag:$0x2], $0x2780, $0x38;
	[tilespmem:$0xA680] =	vst v63  }
0xde: {  	_ =	swait.ge [sflag:s11], $0x2780  }
0xdf: {  	[sflag:s11] =	ssyncset.done $0x0  }
0xe0: {  	[sflag:s11] =	ssyncadd.s32 $0xFFFFD880  }
0xe1: {  	_ =	sfence.sel $0x180000  }
0xe2: {  	[bflag:$0x0] =	sbarrier.arrive $0xFFFF  }
0xe3: {  	p0 =	sne.s32 s1, $0x0;
	_ =	strace $0x90000047  }
0xe4: {  	s0 =	sadd.s32 @!p0 $0x100000, s0;
	[bflag:$0x2] =	sbarrier.arrive $0xFFFF  }
0xe5: {  	[sflag:s0] =	ssyncadd.tile.s32 @!p0 $0x1;
	_ =	shalt  }
.Lfunc_end2:
_tile_overlayer_lowered:
.L_overlay_start_2:
0xe6: {  	(tag) =	ssettag $0x2  }
0xe7: {  	s0 =	rddreg [dreg:$0x0];
	s2 =	stileid.u32  }
0xe8: {  	s1 =	rddreg [dreg:$0x1];
	p0 =	sne.s32 s2, $0x0  }
0xe9: {  	s3 =	rddreg [dreg:$0x2];
	[bflag:$0x3] =	sbarrier.arrive $0xFFFF;
	s2 =	simm.s32 @!p0 $0x1C02  }
0xea: {  	[timem:s3], [sflag:s2] =	dma.local @!p0 [hbm:s0], s1  }
0xeb: {  	s0 =	simm.s32 @!p0 $0x2  }
0xec: {  	_ =	swait.ge @!p0 [sflag:s0], s1  }
0xed: {  	s1 =	ssub.s32 @!p0 $0x0, s1;
	[sflag:s0] =	ssyncset.done @!p0 $0x0  }
0xee: {  	[sflag:s0] =	ssyncadd.s32 @!p0 s1  }
0xef: {  	[bflag:$0x3] =	sbarrier.arrive $0xFFFF  }
0xf0: {  	_ =	shalt  }

</sc_bundles>
